<compile_context>
chip_gen: v7x
topology: tpu7x:2x2x1
jax: 0.10.2.dev20260603
libtpu: 0.0.44.dev20260713+nightly
codegen_flags: <defaults>
</compile_context>

<pallas_src>
import functools

import jax
import jax.numpy as jnp
from jax import lax
from jax.experimental import pallas as pl
from jax.experimental.pallas import tpu as pltpu
from jax.experimental.pallas import tpu_sc as plsc

EMB = 512
HID = 1024
EPS = 1e-07

_NC = 2
_NS = 16
_NW = _NC * _NS
_K = 4


def _sc_gather_body(ids_hbm, table_hbm, out_hbm, idx_v, buf_v, sem, *, k,
                    sch, seq_len, bsz):
    tok_per_w = (sch * bsz) // _NW
    wpb = _NW // bsz
    wid = lax.axis_index("s") * _NC + lax.axis_index("c")
    myb = wid // wpb
    myj = wid % wpb
    col = k * sch + myj * tok_per_w
    pltpu.sync_copy(ids_hbm.at[myb, pl.ds(col, tok_per_w)], idx_v)
    pltpu.async_copy(table_hbm.at[idx_v], buf_v, sem).wait()
    pltpu.sync_copy(buf_v, out_hbm.at[pl.ds(wid * tok_per_w, tok_per_w)])


def _sc_gather_chunk(ids2d, word_table, k, sch, seq_len, bsz):
    tok_per_w = (sch * bsz) // _NW
    mesh = plsc.VectorSubcoreMesh(core_axis_name="c", subcore_axis_name="s")
    body = functools.partial(_sc_gather_body, k=k, sch=sch, seq_len=seq_len,
                             bsz=bsz)
    kern = functools.partial(
        pl.kernel,
        mesh=mesh,
        out_type=jax.ShapeDtypeStruct((sch * bsz, EMB), jnp.float32),
        scratch_types=[
            pltpu.VMEM((tok_per_w,), jnp.int32),
            pltpu.VMEM((tok_per_w, EMB), jnp.float32),
            pltpu.SemaphoreType.DMA,
        ],
    )(body)
    return kern(ids2d, word_table)


def _tc_body_first(x_ref, pos_ref, w_ref, g_ref, b_ref, o_ref):
    x = (x_ref[...] + pos_ref[...]).astype(jnp.bfloat16)
    h = jnp.dot(x, w_ref[...], preferred_element_type=jnp.float32)
    mu = jnp.mean(h, axis=-1, keepdims=True)
    var = jnp.mean((h - mu) ** 2, axis=-1, keepdims=True)
    o_ref[...] = (h - mu) * lax.rsqrt(var + EPS) * g_ref[...] + b_ref[...]


def _tc_body_chained(prev_ref, x_ref, pos_ref, w_ref, g_ref, b_ref, o_ref):
    del prev_ref
    _tc_body_first(x_ref, pos_ref, w_ref, g_ref, b_ref, o_ref)


def _tc_chunk(k, n_tok, nbatch, sch, embeds_k, pos_table, wb, g2, b2, prev):
    blk = sch
    blocks_per_batch = (n_tok // nbatch) // blk
    x_spec = pl.BlockSpec((blk, EMB), lambda j, b: (b, 0))
    pos_spec = pl.BlockSpec((blk, EMB), lambda j, b: (k, 0))
    w_spec = pl.BlockSpec((EMB, HID), lambda j, b: (0, 0))
    v_spec = pl.BlockSpec((1, HID), lambda j, b: (0, 0))
    out_spec = pl.BlockSpec(
        (blk, HID), lambda j, b: (b * blocks_per_batch + k, 0))
    out_shape = jax.ShapeDtypeStruct((n_tok, HID), jnp.float32)
    grid = (1, nbatch)
    if prev is None:
        return pl.pallas_call(
            _tc_body_first,
            grid=grid,
            in_specs=[x_spec, pos_spec, w_spec, v_spec, v_spec],
            out_specs=out_spec,
            out_shape=out_shape,
        )(embeds_k, pos_table, wb, g2, b2)
    return pl.pallas_call(
        _tc_body_chained,
        grid=grid,
        in_specs=[pl.BlockSpec(memory_space=pl.MemorySpace.ANY),
                  x_spec, pos_spec, w_spec, v_spec, v_spec],
        out_specs=out_spec,
        out_shape=out_shape,
        input_output_aliases={0: 0},
    )(prev, embeds_k, pos_table, wb, g2, b2)


def kernel(input_ids, word_table, pos_table, proj_w, ln_gamma, ln_beta):
    bsz, seq_len = input_ids.shape
    n_tok = bsz * seq_len
    ids2d = input_ids.astype(jnp.int32)
    sch = seq_len // _K
    wb = proj_w.astype(jnp.bfloat16)
    g2 = ln_gamma.reshape(1, HID)
    b2 = ln_beta.reshape(1, HID)
    embeds = [
        _sc_gather_chunk(ids2d, word_table, k, sch, seq_len, bsz)
        for k in range(_K)
    ]
    o = None
    for k in range(_K):
        o = _tc_chunk(k, n_tok, bsz, sch, embeds[k], pos_table, wb, g2, b2, o)
    return o.reshape(bsz, seq_len, HID)

# --- scband reference (transcript-rebuilt; emitter-appended) ---
"""Pipeline reference for scband-deberta-v2-embeddings-15796889714987 (READ-ONLY COPY).

The authoritative reference and input builder live on the scoring server;
editing this copy changes nothing except your own understanding.
"""

import jax, jax.numpy as jnp
import numpy as np

VOCAB = 128100
EMB = 512
HID = 1024
MAXPOS = 2048
B = 4
S = 2048
EPS = 1e-07


def setup_inputs(seed: int = 0) -> dict:
    key = jax.random.key(seed)
    k1, k2, k3, k4 = jax.random.split(key, 4)
    input_ids = jax.random.randint(k1, (B, S), 0, VOCAB, dtype=jnp.int64 if jax.config.jax_enable_x64 else jnp.int32)
    word_table = jax.random.normal(k2, (VOCAB, EMB), dtype=jnp.float32) * 0.02
    # padding_idx=0 -> zero row, as nn.Embedding(padding_idx=0) initializes
    word_table = word_table.at[0].set(0.0)
    pos_table = jax.random.normal(k3, (MAXPOS, EMB), dtype=jnp.float32) * 0.02
    proj_w = jax.random.normal(k4, (EMB, HID), dtype=jnp.float32) * 0.02
    ln_gamma = jnp.ones((HID,), dtype=jnp.float32)
    ln_beta = jnp.zeros((HID,), dtype=jnp.float32)
    return {
        "input_ids": input_ids,
        "word_table": word_table,
        "pos_table": pos_table,
        "proj_w": proj_w,
        "ln_gamma": ln_gamma,
        "ln_beta": ln_beta,
    }


def reference(input_ids, word_table, pos_table, proj_w, ln_gamma, ln_beta):
    bsz, seq_len = input_ids.shape
    # word embedding gather
    inputs_embeds = jnp.take(word_table, input_ids, axis=0)  # [B, S, EMB]
    # position embeddings (position_biased_input=True), position_ids = arange(seq_len)
    pos_emb = pos_table[:seq_len]  # [S, EMB]
    embeddings = inputs_embeds + pos_emb[None, :, :]
    # token_type_embeddings is None (type_vocab_size=0)
    # embed_proj: Linear(EMB -> HID, bias=False)
    h = embeddings @ proj_w  # [B, S, HID]
    # LayerNorm over last dim
    mu = jnp.mean(h, axis=-1, keepdims=True)
    var = jnp.mean((h - mu) ** 2, axis=-1, keepdims=True)
    h = (h - mu) / jnp.sqrt(var + EPS) * ln_gamma + ln_beta
    # mask is None; dropout is identity in eval mode
    return h

if __name__ == "__main__":
    import jax
    _d = setup_inputs()
    print(jax.jit(kernel)(*tuple(_d.values())))

</pallas_src>

<mosaic_0001>
#map = affine_map<(d0, d1) -> (0, 0)>
module attributes {stable_mosaic.version = 14 : i64} {
  func.func @_sc_gather_body(%arg0: i32, %arg1: i32, %arg2: memref<4x2048xi32, #tpu.memory_space<hbm>>, %arg3: memref<128100x512xf32, #tpu.memory_space<hbm>>, %arg4: memref<2048x512xf32, #tpu.memory_space<hbm>>, %arg5: memref<64xi32, #tpu.memory_space<vmem>>, %arg6: memref<64x512xf32, #tpu.memory_space<vmem>>, %arg7: memref<!tpu.dma_semaphore, #tpu.memory_space<semaphore_mem>>) attributes {dimension_semantics = [#tpu.dimension_semantics<core_parallel>, #tpu.dimension_semantics<subcore_parallel>], iteration_bounds = array<i64: 2, 16>, scalar_prefetch = 0 : i64, scratch_operands = 3 : i64, tpu.core_type = #tpu.core_type<sc_vector_subcore>, window_params = [{transform_indices = #map}, {transform_indices = #map}, {transform_indices = #map}]} {
    %mul3A = arith.constant 2 : i32
    %mul3A_0 = arith.muli %arg1, %mul3A : i32
    %add3A = arith.addi %mul3A_0, %arg0 : i32
    %jit3A = arith.constant 8 : i32
    %div3A = arith.divsi %add3A, %jit3A : i32
    %sign3A = arith.constant 0 : i32
    %sign3A_1 = arith.cmpi sgt, %add3A, %sign3A : i32
    %sign3A_2 = arith.extui %sign3A_1 : i1 to i32
    %sign3A_3 = arith.constant 0 : i32
    %sign3A_4 = arith.cmpi slt, %add3A, %sign3A_3 : i32
    %sign3A_5 = arith.extui %sign3A_4 : i1 to i32
    %sign3A_6 = arith.subi %sign3A_2, %sign3A_5 : i32
    %sign3A_7 = arith.constant 0 : i32
    %sign3A_8 = arith.cmpi sgt, %jit3A, %sign3A_7 : i32
    %sign3A_9 = arith.extui %sign3A_8 : i1 to i32
    %sign3A_10 = arith.constant 0 : i32
    %sign3A_11 = arith.cmpi slt, %jit3A, %sign3A_10 : i32
    %sign3A_12 = arith.extui %sign3A_11 : i1 to i32
    %sign3A_13 = arith.subi %sign3A_9, %sign3A_12 : i32
    %ne3A = arith.cmpi ne, %sign3A_6, %sign3A_13 : i32
    %rem3A = arith.remsi %add3A, %jit3A : i32
    %ne3A_14 = arith.constant 0 : i32
    %ne3A_15 = arith.cmpi ne, %rem3A, %ne3A_14 : i32
    %and3A = arith.andi %ne3A, %ne3A_15 : i1
    %sub3A = arith.constant 1 : i32
    %sub3A_16 = arith.subi %div3A, %sub3A : i32
    %select_n3A = arith.select %and3A, %sub3A_16, %div3A : i32
    %jit3A_17 = arith.constant 8 : i32
    %eq3A = arith.constant 0 : i32
    %eq3A_18 = arith.cmpi eq, %jit3A_17, %eq3A : i32
    %jit3A_19 = arith.constant 1 : i32
    %select_n3A_20 = arith.select %eq3A_18, %jit3A_19, %jit3A_17 : i32
    %rem3A_21 = arith.remsi %add3A, %select_n3A_20 : i32
    %ne3A_22 = arith.constant 0 : i32
    %ne3A_23 = arith.cmpi ne, %rem3A_21, %ne3A_22 : i32
    %lt3A = arith.constant 0 : i32
    %lt3A_24 = arith.cmpi slt, %rem3A_21, %lt3A : i32
    %lt3A_25 = arith.constant 0 : i32
    %lt3A_26 = arith.cmpi slt, %select_n3A_20, %lt3A_25 : i32
    %ne3A_27 = arith.xori %lt3A_24, %lt3A_26 : i1
    %and3A_28 = arith.andi %ne3A_27, %ne3A_23 : i1
    %add3A_29 = arith.addi %rem3A_21, %select_n3A_20 : i32
    %select_n3A_30 = arith.select %and3A_28, %add3A_29, %rem3A_21 : i32
    %mul3A_31 = arith.constant 64 : i32
    %mul3A_32 = arith.muli %select_n3A_30, %mul3A_31 : i32
    %add3A_33 = arith.constant 512 : i32
    %add3A_34 = arith.addi %add3A_33, %mul3A_32 : i32
    "tpu.region"() ({
      %run_scoped3A = tpu.sem_alloc : memref<!tpu.dma_semaphore, #tpu.memory_space<semaphore_mem>>
      %dma_start3A_41 = tpu.memref_slice %arg2[%select_n3A, %add3A_34] : memref<4x2048xi32, #tpu.memory_space<hbm>> -> memref<1x64xi32, #tpu.memory_space<hbm>>
      %dma_start3A_42 = tpu.memref_squeeze %dma_start3A_41 : memref<1x64xi32, #tpu.memory_space<hbm>> -> memref<64xi32, #tpu.memory_space<hbm>>
      %dma_start3A_43 = tpu.memref_slice %arg2[%select_n3A, %add3A_34] : memref<4x2048xi32, #tpu.memory_space<hbm>> -> memref<1x64xi32, #tpu.memory_space<hbm>>
      %dma_start3A_44 = tpu.memref_squeeze %dma_start3A_43 : memref<1x64xi32, #tpu.memory_space<hbm>> -> memref<64xi32, #tpu.memory_space<hbm>>
      tpu.enqueue_dma source(%dma_start3A_44 : memref<64xi32, #tpu.memory_space<hbm>>) target(%arg5 : memref<64xi32, #tpu.memory_space<vmem>>) target_semaphore(%run_scoped3A : memref<!tpu.dma_semaphore, #tpu.memory_space<semaphore_mem>>)
      %dma_wait3A_45 = tpu.memref_slice %arg2[%select_n3A, %add3A_34] : memref<4x2048xi32, #tpu.memory_space<hbm>> -> memref<1x64xi32, #tpu.memory_space<hbm>>
      %dma_wait3A_46 = tpu.memref_squeeze %dma_wait3A_45 : memref<1x64xi32, #tpu.memory_space<hbm>> -> memref<64xi32, #tpu.memory_space<hbm>>
      %dma_wait3A_47 = tpu.memref_slice %arg2[%select_n3A, %add3A_34] : memref<4x2048xi32, #tpu.memory_space<hbm>> -> memref<1x64xi32, #tpu.memory_space<hbm>>
      %dma_wait3A_48 = tpu.memref_squeeze %dma_wait3A_47 : memref<1x64xi32, #tpu.memory_space<hbm>> -> memref<64xi32, #tpu.memory_space<hbm>>
      tpu.wait_dma2 semaphore(%run_scoped3A : memref<!tpu.dma_semaphore, #tpu.memory_space<semaphore_mem>>) src(%dma_wait3A_48 : memref<64xi32, #tpu.memory_space<hbm>>) dst(%arg5 : memref<64xi32, #tpu.memory_space<vmem>>)
      tpu.yield
    }) : () -> ()
    %dma_start3A = arith.constant 0 : i32
    %dma_start3A_35 = arith.constant 0 : i32
    %dma_start3A_36 = tpu.memref_slice %arg3[%dma_start3A, %dma_start3A_35] : memref<128100x512xf32, #tpu.memory_space<hbm>> -> memref<128100x512xf32, #tpu.memory_space<hbm>>
    tpu.enqueue_indirect_dma source(%dma_start3A_36 : memref<128100x512xf32, #tpu.memory_space<hbm>>) target(%arg6 : memref<64x512xf32, #tpu.memory_space<vmem>>) offsets(%arg5 : memref<64xi32, #tpu.memory_space<vmem>>) semaphore(%arg7 : memref<!tpu.dma_semaphore, #tpu.memory_space<semaphore_mem>>)
    %dma_wait3A = arith.constant 0 : i32
    %dma_wait3A_37 = arith.constant 0 : i32
    %dma_wait3A_38 = tpu.memref_slice %arg3[%dma_wait3A, %dma_wait3A_37] : memref<128100x512xf32, #tpu.memory_space<hbm>> -> memref<128100x512xf32, #tpu.memory_space<hbm>>
    tpu.wait_indirect_dma semaphore(%arg7 : memref<!tpu.dma_semaphore, #tpu.memory_space<semaphore_mem>>) src(%dma_wait3A_38 : memref<128100x512xf32, #tpu.memory_space<hbm>>) dst(%arg6 : memref<64x512xf32, #tpu.memory_space<vmem>>)
    %mul3A_39 = arith.constant 64 : i32
    %mul3A_40 = arith.muli %add3A, %mul3A_39 : i32
    "tpu.region"() ({
      %run_scoped3A = tpu.sem_alloc : memref<!tpu.dma_semaphore, #tpu.memory_space<semaphore_mem>>
      %dma_start3A_41 = arith.constant 0 : i32
      %dma_start3A_42 = tpu.memref_slice %arg4[%mul3A_40, %dma_start3A_41] : memref<2048x512xf32, #tpu.memory_space<hbm>> -> memref<64x512xf32, #tpu.memory_space<hbm>>
      %dma_start3A_43 = arith.constant 0 : i32
      %dma_start3A_44 = tpu.memref_slice %arg4[%mul3A_40, %dma_start3A_43] : memref<2048x512xf32, #tpu.memory_space<hbm>> -> memref<64x512xf32, #tpu.memory_space<hbm>>
      tpu.enqueue_dma source(%arg6 : memref<64x512xf32, #tpu.memory_space<vmem>>) target(%dma_start3A_44 : memref<64x512xf32, #tpu.memory_space<hbm>>) target_semaphore(%run_scoped3A : memref<!tpu.dma_semaphore, #tpu.memory_space<semaphore_mem>>)
      %dma_wait3A_45 = arith.constant 0 : i32
      %dma_wait3A_46 = tpu.memref_slice %arg4[%mul3A_40, %dma_wait3A_45] : memref<2048x512xf32, #tpu.memory_space<hbm>> -> memref<64x512xf32, #tpu.memory_space<hbm>>
      %dma_wait3A_47 = arith.constant 0 : i32
      %dma_wait3A_48 = tpu.memref_slice %arg4[%mul3A_40, %dma_wait3A_47] : memref<2048x512xf32, #tpu.memory_space<hbm>> -> memref<64x512xf32, #tpu.memory_space<hbm>>
      tpu.wait_dma2 semaphore(%run_scoped3A : memref<!tpu.dma_semaphore, #tpu.memory_space<semaphore_mem>>) src(%arg6 : memref<64x512xf32, #tpu.memory_space<vmem>>) dst(%dma_wait3A_48 : memref<64x512xf32, #tpu.memory_space<hbm>>)
      tpu.yield
    }) : () -> ()
    return
  }
}

#map = affine_map<(d0, d1) -> (0, 0)>
module attributes {stable_mosaic.version = 14 : i64} {
  func.func @_sc_gather_body(%arg0: i32, %arg1: i32, %arg2: memref<4x2048xi32, #tpu.memory_space<hbm>>, %arg3: memref<128100x512xf32, #tpu.memory_space<hbm>>, %arg4: memref<2048x512xf32, #tpu.memory_space<hbm>>, %arg5: memref<64xi32, #tpu.memory_space<vmem>>, %arg6: memref<64x512xf32, #tpu.memory_space<vmem>>, %arg7: memref<!tpu.dma_semaphore, #tpu.memory_space<semaphore_mem>>) attributes {dimension_semantics = [#tpu.dimension_semantics<core_parallel>, #tpu.dimension_semantics<subcore_parallel>], iteration_bounds = array<i64: 2, 16>, scalar_prefetch = 0 : i64, scratch_operands = 3 : i64, tpu.core_type = #tpu.core_type<sc_vector_subcore>, window_params = [{transform_indices = #map}, {transform_indices = #map}, {transform_indices = #map}]} {
    %mul3A = arith.constant 2 : i32
    %mul3A_0 = arith.muli %arg1, %mul3A : i32
    %add3A = arith.addi %mul3A_0, %arg0 : i32
    %jit3A = arith.constant 8 : i32
    %div3A = arith.divsi %add3A, %jit3A : i32
    %sign3A = arith.constant 0 : i32
    %sign3A_1 = arith.cmpi sgt, %add3A, %sign3A : i32
    %sign3A_2 = arith.extui %sign3A_1 : i1 to i32
    %sign3A_3 = arith.constant 0 : i32
    %sign3A_4 = arith.cmpi slt, %add3A, %sign3A_3 : i32
    %sign3A_5 = arith.extui %sign3A_4 : i1 to i32
    %sign3A_6 = arith.subi %sign3A_2, %sign3A_5 : i32
    %sign3A_7 = arith.constant 0 : i32
    %sign3A_8 = arith.cmpi sgt, %jit3A, %sign3A_7 : i32
    %sign3A_9 = arith.extui %sign3A_8 : i1 to i32
    %sign3A_10 = arith.constant 0 : i32
    %sign3A_11 = arith.cmpi slt, %jit3A, %sign3A_10 : i32
    %sign3A_12 = arith.extui %sign3A_11 : i1 to i32
    %sign3A_13 = arith.subi %sign3A_9, %sign3A_12 : i32
    %ne3A = arith.cmpi ne, %sign3A_6, %sign3A_13 : i32
    %rem3A = arith.remsi %add3A, %jit3A : i32
    %ne3A_14 = arith.constant 0 : i32
    %ne3A_15 = arith.cmpi ne, %rem3A, %ne3A_14 : i32
    %and3A = arith.andi %ne3A, %ne3A_15 : i1
    %sub3A = arith.constant 1 : i32
    %sub3A_16 = arith.subi %div3A, %sub3A : i32
    %select_n3A = arith.select %and3A, %sub3A_16, %div3A : i32
    %jit3A_17 = arith.constant 8 : i32
    %eq3A = arith.constant 0 : i32
    %eq3A_18 = arith.cmpi eq, %jit3A_17, %eq3A : i32
    %jit3A_19 = arith.constant 1 : i32
    %select_n3A_20 = arith.select %eq3A_18, %jit3A_19, %jit3A_17 : i32
    %rem3A_21 = arith.remsi %add3A, %select_n3A_20 : i32
    %ne3A_22 = arith.constant 0 : i32
    %ne3A_23 = arith.cmpi ne, %rem3A_21, %ne3A_22 : i32
    %lt3A = arith.constant 0 : i32
    %lt3A_24 = arith.cmpi slt, %rem3A_21, %lt3A : i32
    %lt3A_25 = arith.constant 0 : i32
    %lt3A_26 = arith.cmpi slt, %select_n3A_20, %lt3A_25 : i32
    %ne3A_27 = arith.xori %lt3A_24, %lt3A_26 : i1
    %and3A_28 = arith.andi %ne3A_27, %ne3A_23 : i1
    %add3A_29 = arith.addi %rem3A_21, %select_n3A_20 : i32
    %select_n3A_30 = arith.select %and3A_28, %add3A_29, %rem3A_21 : i32
    %mul3A_31 = arith.constant 64 : i32
    %mul3A_32 = arith.muli %select_n3A_30, %mul3A_31 : i32
    %add3A_33 = arith.constant 1024 : i32
    %add3A_34 = arith.addi %add3A_33, %mul3A_32 : i32
    "tpu.region"() ({
      %run_scoped3A = tpu.sem_alloc : memref<!tpu.dma_semaphore, #tpu.memory_space<semaphore_mem>>
      %dma_start3A_41 = tpu.memref_slice %arg2[%select_n3A, %add3A_34] : memref<4x2048xi32, #tpu.memory_space<hbm>> -> memref<1x64xi32, #tpu.memory_space<hbm>>
      %dma_start3A_42 = tpu.memref_squeeze %dma_start3A_41 : memref<1x64xi32, #tpu.memory_space<hbm>> -> memref<64xi32, #tpu.memory_space<hbm>>
      %dma_start3A_43 = tpu.memref_slice %arg2[%select_n3A, %add3A_34] : memref<4x2048xi32, #tpu.memory_space<hbm>> -> memref<1x64xi32, #tpu.memory_space<hbm>>
      %dma_start3A_44 = tpu.memref_squeeze %dma_start3A_43 : memref<1x64xi32, #tpu.memory_space<hbm>> -> memref<64xi32, #tpu.memory_space<hbm>>
      tpu.enqueue_dma source(%dma_start3A_44 : memref<64xi32, #tpu.memory_space<hbm>>) target(%arg5 : memref<64xi32, #tpu.memory_space<vmem>>) target_semaphore(%run_scoped3A : memref<!tpu.dma_semaphore, #tpu.memory_space<semaphore_mem>>)
      %dma_wait3A_45 = tpu.memref_slice %arg2[%select_n3A, %add3A_34] : memref<4x2048xi32, #tpu.memory_space<hbm>> -> memref<1x64xi32, #tpu.memory_space<hbm>>
      %dma_wait3A_46 = tpu.memref_squeeze %dma_wait3A_45 : memref<1x64xi32, #tpu.memory_space<hbm>> -> memref<64xi32, #tpu.memory_space<hbm>>
      %dma_wait3A_47 = tpu.memref_slice %arg2[%select_n3A, %add3A_34] : memref<4x2048xi32, #tpu.memory_space<hbm>> -> memref<1x64xi32, #tpu.memory_space<hbm>>
      %dma_wait3A_48 = tpu.memref_squeeze %dma_wait3A_47 : memref<1x64xi32, #tpu.memory_space<hbm>> -> memref<64xi32, #tpu.memory_space<hbm>>
      tpu.wait_dma2 semaphore(%run_scoped3A : memref<!tpu.dma_semaphore, #tpu.memory_space<semaphore_mem>>) src(%dma_wait3A_48 : memref<64xi32, #tpu.memory_space<hbm>>) dst(%arg5 : memref<64xi32, #tpu.memory_space<vmem>>)
      tpu.yield
    }) : () -> ()
    %dma_start3A = arith.constant 0 : i32
    %dma_start3A_35 = arith.constant 0 : i32
    %dma_start3A_36 = tpu.memref_slice %arg3[%dma_start3A, %dma_start3A_35] : memref<128100x512xf32, #tpu.memory_space<hbm>> -> memref<128100x512xf32, #tpu.memory_space<hbm>>
    tpu.enqueue_indirect_dma source(%dma_start3A_36 : memref<128100x512xf32, #tpu.memory_space<hbm>>) target(%arg6 : memref<64x512xf32, #tpu.memory_space<vmem>>) offsets(%arg5 : memref<64xi32, #tpu.memory_space<vmem>>) semaphore(%arg7 : memref<!tpu.dma_semaphore, #tpu.memory_space<semaphore_mem>>)
    %dma_wait3A = arith.constant 0 : i32
    %dma_wait3A_37 = arith.constant 0 : i32
    %dma_wait3A_38 = tpu.memref_slice %arg3[%dma_wait3A, %dma_wait3A_37] : memref<128100x512xf32, #tpu.memory_space<hbm>> -> memref<128100x512xf32, #tpu.memory_space<hbm>>
    tpu.wait_indirect_dma semaphore(%arg7 : memref<!tpu.dma_semaphore, #tpu.memory_space<semaphore_mem>>) src(%dma_wait3A_38 : memref<128100x512xf32, #tpu.memory_space<hbm>>) dst(%arg6 : memref<64x512xf32, #tpu.memory_space<vmem>>)
    %mul3A_39 = arith.constant 64 : i32
    %mul3A_40 = arith.muli %add3A, %mul3A_39 : i32
    "tpu.region"() ({
      %run_scoped3A = tpu.sem_alloc : memref<!tpu.dma_semaphore, #tpu.memory_space<semaphore_mem>>
      %dma_start3A_41 = arith.constant 0 : i32
      %dma_start3A_42 = tpu.memref_slice %arg4[%mul3A_40, %dma_start3A_41] : memref<2048x512xf32, #tpu.memory_space<hbm>> -> memref<64x512xf32, #tpu.memory_space<hbm>>
      %dma_start3A_43 = arith.constant 0 : i32
      %dma_start3A_44 = tpu.memref_slice %arg4[%mul3A_40, %dma_start3A_43] : memref<2048x512xf32, #tpu.memory_space<hbm>> -> memref<64x512xf32, #tpu.memory_space<hbm>>
      tpu.enqueue_dma source(%arg6 : memref<64x512xf32, #tpu.memory_space<vmem>>) target(%dma_start3A_44 : memref<64x512xf32, #tpu.memory_space<hbm>>) target_semaphore(%run_scoped3A : memref<!tpu.dma_semaphore, #tpu.memory_space<semaphore_mem>>)
      %dma_wait3A_45 = arith.constant 0 : i32
      %dma_wait3A_46 = tpu.memref_slice %arg4[%mul3A_40, %dma_wait3A_45] : memref<2048x512xf32, #tpu.memory_space<hbm>> -> memref<64x512xf32, #tpu.memory_space<hbm>>
      %dma_wait3A_47 = arith.constant 0 : i32
      %dma_wait3A_48 = tpu.memref_slice %arg4[%mul3A_40, %dma_wait3A_47] : memref<2048x512xf32, #tpu.memory_space<hbm>> -> memref<64x512xf32, #tpu.memory_space<hbm>>
      tpu.wait_dma2 semaphore(%run_scoped3A : memref<!tpu.dma_semaphore, #tpu.memory_space<semaphore_mem>>) src(%arg6 : memref<64x512xf32, #tpu.memory_space<vmem>>) dst(%dma_wait3A_48 : memref<64x512xf32, #tpu.memory_space<hbm>>)
      tpu.yield
    }) : () -> ()
    return
  }
}

#map = affine_map<(d0, d1) -> (0, 0)>
module attributes {stable_mosaic.version = 14 : i64} {
  func.func @_sc_gather_body(%arg0: i32, %arg1: i32, %arg2: memref<4x2048xi32, #tpu.memory_space<hbm>>, %arg3: memref<128100x512xf32, #tpu.memory_space<hbm>>, %arg4: memref<2048x512xf32, #tpu.memory_space<hbm>>, %arg5: memref<64xi32, #tpu.memory_space<vmem>>, %arg6: memref<64x512xf32, #tpu.memory_space<vmem>>, %arg7: memref<!tpu.dma_semaphore, #tpu.memory_space<semaphore_mem>>) attributes {dimension_semantics = [#tpu.dimension_semantics<core_parallel>, #tpu.dimension_semantics<subcore_parallel>], iteration_bounds = array<i64: 2, 16>, scalar_prefetch = 0 : i64, scratch_operands = 3 : i64, tpu.core_type = #tpu.core_type<sc_vector_subcore>, window_params = [{transform_indices = #map}, {transform_indices = #map}, {transform_indices = #map}]} {
    %mul3A = arith.constant 2 : i32
    %mul3A_0 = arith.muli %arg1, %mul3A : i32
    %add3A = arith.addi %mul3A_0, %arg0 : i32
    %jit3A = arith.constant 8 : i32
    %div3A = arith.divsi %add3A, %jit3A : i32
    %sign3A = arith.constant 0 : i32
    %sign3A_1 = arith.cmpi sgt, %add3A, %sign3A : i32
    %sign3A_2 = arith.extui %sign3A_1 : i1 to i32
    %sign3A_3 = arith.constant 0 : i32
    %sign3A_4 = arith.cmpi slt, %add3A, %sign3A_3 : i32
    %sign3A_5 = arith.extui %sign3A_4 : i1 to i32
    %sign3A_6 = arith.subi %sign3A_2, %sign3A_5 : i32
    %sign3A_7 = arith.constant 0 : i32
    %sign3A_8 = arith.cmpi sgt, %jit3A, %sign3A_7 : i32
    %sign3A_9 = arith.extui %sign3A_8 : i1 to i32
    %sign3A_10 = arith.constant 0 : i32
    %sign3A_11 = arith.cmpi slt, %jit3A, %sign3A_10 : i32
    %sign3A_12 = arith.extui %sign3A_11 : i1 to i32
    %sign3A_13 = arith.subi %sign3A_9, %sign3A_12 : i32
    %ne3A = arith.cmpi ne, %sign3A_6, %sign3A_13 : i32
    %rem3A = arith.remsi %add3A, %jit3A : i32
    %ne3A_14 = arith.constant 0 : i32
    %ne3A_15 = arith.cmpi ne, %rem3A, %ne3A_14 : i32
    %and3A = arith.andi %ne3A, %ne3A_15 : i1
    %sub3A = arith.constant 1 : i32
    %sub3A_16 = arith.subi %div3A, %sub3A : i32
    %select_n3A = arith.select %and3A, %sub3A_16, %div3A : i32
    %jit3A_17 = arith.constant 8 : i32
    %eq3A = arith.constant 0 : i32
    %eq3A_18 = arith.cmpi eq, %jit3A_17, %eq3A : i32
    %jit3A_19 = arith.constant 1 : i32
    %select_n3A_20 = arith.select %eq3A_18, %jit3A_19, %jit3A_17 : i32
    %rem3A_21 = arith.remsi %add3A, %select_n3A_20 : i32
    %ne3A_22 = arith.constant 0 : i32
    %ne3A_23 = arith.cmpi ne, %rem3A_21, %ne3A_22 : i32
    %lt3A = arith.constant 0 : i32
    %lt3A_24 = arith.cmpi slt, %rem3A_21, %lt3A : i32
    %lt3A_25 = arith.constant 0 : i32
    %lt3A_26 = arith.cmpi slt, %select_n3A_20, %lt3A_25 : i32
    %ne3A_27 = arith.xori %lt3A_24, %lt3A_26 : i1
    %and3A_28 = arith.andi %ne3A_27, %ne3A_23 : i1
    %add3A_29 = arith.addi %rem3A_21, %select_n3A_20 : i32
    %select_n3A_30 = arith.select %and3A_28, %add3A_29, %rem3A_21 : i32
    %mul3A_31 = arith.constant 64 : i32
    %mul3A_32 = arith.muli %select_n3A_30, %mul3A_31 : i32
    %add3A_33 = arith.constant 0 : i32
    %add3A_34 = arith.addi %add3A_33, %mul3A_32 : i32
    "tpu.region"() ({
      %run_scoped3A = tpu.sem_alloc : memref<!tpu.dma_semaphore, #tpu.memory_space<semaphore_mem>>
      %dma_start3A_41 = tpu.memref_slice %arg2[%select_n3A, %add3A_34] : memref<4x2048xi32, #tpu.memory_space<hbm>> -> memref<1x64xi32, #tpu.memory_space<hbm>>
      %dma_start3A_42 = tpu.memref_squeeze %dma_start3A_41 : memref<1x64xi32, #tpu.memory_space<hbm>> -> memref<64xi32, #tpu.memory_space<hbm>>
      %dma_start3A_43 = tpu.memref_slice %arg2[%select_n3A, %add3A_34] : memref<4x2048xi32, #tpu.memory_space<hbm>> -> memref<1x64xi32, #tpu.memory_space<hbm>>
      %dma_start3A_44 = tpu.memref_squeeze %dma_start3A_43 : memref<1x64xi32, #tpu.memory_space<hbm>> -> memref<64xi32, #tpu.memory_space<hbm>>
      tpu.enqueue_dma source(%dma_start3A_44 : memref<64xi32, #tpu.memory_space<hbm>>) target(%arg5 : memref<64xi32, #tpu.memory_space<vmem>>) target_semaphore(%run_scoped3A : memref<!tpu.dma_semaphore, #tpu.memory_space<semaphore_mem>>)
      %dma_wait3A_45 = tpu.memref_slice %arg2[%select_n3A, %add3A_34] : memref<4x2048xi32, #tpu.memory_space<hbm>> -> memref<1x64xi32, #tpu.memory_space<hbm>>
      %dma_wait3A_46 = tpu.memref_squeeze %dma_wait3A_45 : memref<1x64xi32, #tpu.memory_space<hbm>> -> memref<64xi32, #tpu.memory_space<hbm>>
      %dma_wait3A_47 = tpu.memref_slice %arg2[%select_n3A, %add3A_34] : memref<4x2048xi32, #tpu.memory_space<hbm>> -> memref<1x64xi32, #tpu.memory_space<hbm>>
      %dma_wait3A_48 = tpu.memref_squeeze %dma_wait3A_47 : memref<1x64xi32, #tpu.memory_space<hbm>> -> memref<64xi32, #tpu.memory_space<hbm>>
      tpu.wait_dma2 semaphore(%run_scoped3A : memref<!tpu.dma_semaphore, #tpu.memory_space<semaphore_mem>>) src(%dma_wait3A_48 : memref<64xi32, #tpu.memory_space<hbm>>) dst(%arg5 : memref<64xi32, #tpu.memory_space<vmem>>)
      tpu.yield
    }) : () -> ()
    %dma_start3A = arith.constant 0 : i32
    %dma_start3A_35 = arith.constant 0 : i32
    %dma_start3A_36 = tpu.memref_slice %arg3[%dma_start3A, %dma_start3A_35] : memref<128100x512xf32, #tpu.memory_space<hbm>> -> memref<128100x512xf32, #tpu.memory_space<hbm>>
    tpu.enqueue_indirect_dma source(%dma_start3A_36 : memref<128100x512xf32, #tpu.memory_space<hbm>>) target(%arg6 : memref<64x512xf32, #tpu.memory_space<vmem>>) offsets(%arg5 : memref<64xi32, #tpu.memory_space<vmem>>) semaphore(%arg7 : memref<!tpu.dma_semaphore, #tpu.memory_space<semaphore_mem>>)
    %dma_wait3A = arith.constant 0 : i32
    %dma_wait3A_37 = arith.constant 0 : i32
    %dma_wait3A_38 = tpu.memref_slice %arg3[%dma_wait3A, %dma_wait3A_37] : memref<128100x512xf32, #tpu.memory_space<hbm>> -> memref<128100x512xf32, #tpu.memory_space<hbm>>
    tpu.wait_indirect_dma semaphore(%arg7 : memref<!tpu.dma_semaphore, #tpu.memory_space<semaphore_mem>>) src(%dma_wait3A_38 : memref<128100x512xf32, #tpu.memory_space<hbm>>) dst(%arg6 : memref<64x512xf32, #tpu.memory_space<vmem>>)
    %mul3A_39 = arith.constant 64 : i32
    %mul3A_40 = arith.muli %add3A, %mul3A_39 : i32
    "tpu.region"() ({
      %run_scoped3A = tpu.sem_alloc : memref<!tpu.dma_semaphore, #tpu.memory_space<semaphore_mem>>
      %dma_start3A_41 = arith.constant 0 : i32
      %dma_start3A_42 = tpu.memref_slice %arg4[%mul3A_40, %dma_start3A_41] : memref<2048x512xf32, #tpu.memory_space<hbm>> -> memref<64x512xf32, #tpu.memory_space<hbm>>
      %dma_start3A_43 = arith.constant 0 : i32
      %dma_start3A_44 = tpu.memref_slice %arg4[%mul3A_40, %dma_start3A_43] : memref<2048x512xf32, #tpu.memory_space<hbm>> -> memref<64x512xf32, #tpu.memory_space<hbm>>
      tpu.enqueue_dma source(%arg6 : memref<64x512xf32, #tpu.memory_space<vmem>>) target(%dma_start3A_44 : memref<64x512xf32, #tpu.memory_space<hbm>>) target_semaphore(%run_scoped3A : memref<!tpu.dma_semaphore, #tpu.memory_space<semaphore_mem>>)
      %dma_wait3A_45 = arith.constant 0 : i32
      %dma_wait3A_46 = tpu.memref_slice %arg4[%mul3A_40, %dma_wait3A_45] : memref<2048x512xf32, #tpu.memory_space<hbm>> -> memref<64x512xf32, #tpu.memory_space<hbm>>
      %dma_wait3A_47 = arith.constant 0 : i32
      %dma_wait3A_48 = tpu.memref_slice %arg4[%mul3A_40, %dma_wait3A_47] : memref<2048x512xf32, #tpu.memory_space<hbm>> -> memref<64x512xf32, #tpu.memory_space<hbm>>
      tpu.wait_dma2 semaphore(%run_scoped3A : memref<!tpu.dma_semaphore, #tpu.memory_space<semaphore_mem>>) src(%arg6 : memref<64x512xf32, #tpu.memory_space<vmem>>) dst(%dma_wait3A_48 : memref<64x512xf32, #tpu.memory_space<hbm>>)
      tpu.yield
    }) : () -> ()
    return
  }
}

#map = affine_map<(d0, d1) -> (0, 0)>
module attributes {stable_mosaic.version = 14 : i64} {
  func.func @_sc_gather_body(%arg0: i32, %arg1: i32, %arg2: memref<4x2048xi32, #tpu.memory_space<hbm>>, %arg3: memref<128100x512xf32, #tpu.memory_space<hbm>>, %arg4: memref<2048x512xf32, #tpu.memory_space<hbm>>, %arg5: memref<64xi32, #tpu.memory_space<vmem>>, %arg6: memref<64x512xf32, #tpu.memory_space<vmem>>, %arg7: memref<!tpu.dma_semaphore, #tpu.memory_space<semaphore_mem>>) attributes {dimension_semantics = [#tpu.dimension_semantics<core_parallel>, #tpu.dimension_semantics<subcore_parallel>], iteration_bounds = array<i64: 2, 16>, scalar_prefetch = 0 : i64, scratch_operands = 3 : i64, tpu.core_type = #tpu.core_type<sc_vector_subcore>, window_params = [{transform_indices = #map}, {transform_indices = #map}, {transform_indices = #map}]} {
    %mul3A = arith.constant 2 : i32
    %mul3A_0 = arith.muli %arg1, %mul3A : i32
    %add3A = arith.addi %mul3A_0, %arg0 : i32
    %jit3A = arith.constant 8 : i32
    %div3A = arith.divsi %add3A, %jit3A : i32
    %sign3A = arith.constant 0 : i32
    %sign3A_1 = arith.cmpi sgt, %add3A, %sign3A : i32
    %sign3A_2 = arith.extui %sign3A_1 : i1 to i32
    %sign3A_3 = arith.constant 0 : i32
    %sign3A_4 = arith.cmpi slt, %add3A, %sign3A_3 : i32
    %sign3A_5 = arith.extui %sign3A_4 : i1 to i32
    %sign3A_6 = arith.subi %sign3A_2, %sign3A_5 : i32
    %sign3A_7 = arith.constant 0 : i32
    %sign3A_8 = arith.cmpi sgt, %jit3A, %sign3A_7 : i32
    %sign3A_9 = arith.extui %sign3A_8 : i1 to i32
    %sign3A_10 = arith.constant 0 : i32
    %sign3A_11 = arith.cmpi slt, %jit3A, %sign3A_10 : i32
    %sign3A_12 = arith.extui %sign3A_11 : i1 to i32
    %sign3A_13 = arith.subi %sign3A_9, %sign3A_12 : i32
    %ne3A = arith.cmpi ne, %sign3A_6, %sign3A_13 : i32
    %rem3A = arith.remsi %add3A, %jit3A : i32
    %ne3A_14 = arith.constant 0 : i32
    %ne3A_15 = arith.cmpi ne, %rem3A, %ne3A_14 : i32
    %and3A = arith.andi %ne3A, %ne3A_15 : i1
    %sub3A = arith.constant 1 : i32
    %sub3A_16 = arith.subi %div3A, %sub3A : i32
    %select_n3A = arith.select %and3A, %sub3A_16, %div3A : i32
    %jit3A_17 = arith.constant 8 : i32
    %eq3A = arith.constant 0 : i32
    %eq3A_18 = arith.cmpi eq, %jit3A_17, %eq3A : i32
    %jit3A_19 = arith.constant 1 : i32
    %select_n3A_20 = arith.select %eq3A_18, %jit3A_19, %jit3A_17 : i32
    %rem3A_21 = arith.remsi %add3A, %select_n3A_20 : i32
    %ne3A_22 = arith.constant 0 : i32
    %ne3A_23 = arith.cmpi ne, %rem3A_21, %ne3A_22 : i32
    %lt3A = arith.constant 0 : i32
    %lt3A_24 = arith.cmpi slt, %rem3A_21, %lt3A : i32
    %lt3A_25 = arith.constant 0 : i32
    %lt3A_26 = arith.cmpi slt, %select_n3A_20, %lt3A_25 : i32
    %ne3A_27 = arith.xori %lt3A_24, %lt3A_26 : i1
    %and3A_28 = arith.andi %ne3A_27, %ne3A_23 : i1
    %add3A_29 = arith.addi %rem3A_21, %select_n3A_20 : i32
    %select_n3A_30 = arith.select %and3A_28, %add3A_29, %rem3A_21 : i32
    %mul3A_31 = arith.constant 64 : i32
    %mul3A_32 = arith.muli %select_n3A_30, %mul3A_31 : i32
    %add3A_33 = arith.constant 1536 : i32
    %add3A_34 = arith.addi %add3A_33, %mul3A_32 : i32
    "tpu.region"() ({
      %run_scoped3A = tpu.sem_alloc : memref<!tpu.dma_semaphore, #tpu.memory_space<semaphore_mem>>
      %dma_start3A_41 = tpu.memref_slice %arg2[%select_n3A, %add3A_34] : memref<4x2048xi32, #tpu.memory_space<hbm>> -> memref<1x64xi32, #tpu.memory_space<hbm>>
      %dma_start3A_42 = tpu.memref_squeeze %dma_start3A_41 : memref<1x64xi32, #tpu.memory_space<hbm>> -> memref<64xi32, #tpu.memory_space<hbm>>
      %dma_start3A_43 = tpu.memref_slice %arg2[%select_n3A, %add3A_34] : memref<4x2048xi32, #tpu.memory_space<hbm>> -> memref<1x64xi32, #tpu.memory_space<hbm>>
      %dma_start3A_44 = tpu.memref_squeeze %dma_start3A_43 : memref<1x64xi32, #tpu.memory_space<hbm>> -> memref<64xi32, #tpu.memory_space<hbm>>
      tpu.enqueue_dma source(%dma_start3A_44 : memref<64xi32, #tpu.memory_space<hbm>>) target(%arg5 : memref<64xi32, #tpu.memory_space<vmem>>) target_semaphore(%run_scoped3A : memref<!tpu.dma_semaphore, #tpu.memory_space<semaphore_mem>>)
      %dma_wait3A_45 = tpu.memref_slice %arg2[%select_n3A, %add3A_34] : memref<4x2048xi32, #tpu.memory_space<hbm>> -> memref<1x64xi32, #tpu.memory_space<hbm>>
      %dma_wait3A_46 = tpu.memref_squeeze %dma_wait3A_45 : memref<1x64xi32, #tpu.memory_space<hbm>> -> memref<64xi32, #tpu.memory_space<hbm>>
      %dma_wait3A_47 = tpu.memref_slice %arg2[%select_n3A, %add3A_34] : memref<4x2048xi32, #tpu.memory_space<hbm>> -> memref<1x64xi32, #tpu.memory_space<hbm>>
      %dma_wait3A_48 = tpu.memref_squeeze %dma_wait3A_47 : memref<1x64xi32, #tpu.memory_space<hbm>> -> memref<64xi32, #tpu.memory_space<hbm>>
      tpu.wait_dma2 semaphore(%run_scoped3A : memref<!tpu.dma_semaphore, #tpu.memory_space<semaphore_mem>>) src(%dma_wait3A_48 : memref<64xi32, #tpu.memory_space<hbm>>) dst(%arg5 : memref<64xi32, #tpu.memory_space<vmem>>)
      tpu.yield
    }) : () -> ()
    %dma_start3A = arith.constant 0 : i32
    %dma_start3A_35 = arith.constant 0 : i32
    %dma_start3A_36 = tpu.memref_slice %arg3[%dma_start3A, %dma_start3A_35] : memref<128100x512xf32, #tpu.memory_space<hbm>> -> memref<128100x512xf32, #tpu.memory_space<hbm>>
    tpu.enqueue_indirect_dma source(%dma_start3A_36 : memref<128100x512xf32, #tpu.memory_space<hbm>>) target(%arg6 : memref<64x512xf32, #tpu.memory_space<vmem>>) offsets(%arg5 : memref<64xi32, #tpu.memory_space<vmem>>) semaphore(%arg7 : memref<!tpu.dma_semaphore, #tpu.memory_space<semaphore_mem>>)
    %dma_wait3A = arith.constant 0 : i32
    %dma_wait3A_37 = arith.constant 0 : i32
    %dma_wait3A_38 = tpu.memref_slice %arg3[%dma_wait3A, %dma_wait3A_37] : memref<128100x512xf32, #tpu.memory_space<hbm>> -> memref<128100x512xf32, #tpu.memory_space<hbm>>
    tpu.wait_indirect_dma semaphore(%arg7 : memref<!tpu.dma_semaphore, #tpu.memory_space<semaphore_mem>>) src(%dma_wait3A_38 : memref<128100x512xf32, #tpu.memory_space<hbm>>) dst(%arg6 : memref<64x512xf32, #tpu.memory_space<vmem>>)
    %mul3A_39 = arith.constant 64 : i32
    %mul3A_40 = arith.muli %add3A, %mul3A_39 : i32
    "tpu.region"() ({
      %run_scoped3A = tpu.sem_alloc : memref<!tpu.dma_semaphore, #tpu.memory_space<semaphore_mem>>
      %dma_start3A_41 = arith.constant 0 : i32
      %dma_start3A_42 = tpu.memref_slice %arg4[%mul3A_40, %dma_start3A_41] : memref<2048x512xf32, #tpu.memory_space<hbm>> -> memref<64x512xf32, #tpu.memory_space<hbm>>
      %dma_start3A_43 = arith.constant 0 : i32
      %dma_start3A_44 = tpu.memref_slice %arg4[%mul3A_40, %dma_start3A_43] : memref<2048x512xf32, #tpu.memory_space<hbm>> -> memref<64x512xf32, #tpu.memory_space<hbm>>
      tpu.enqueue_dma source(%arg6 : memref<64x512xf32, #tpu.memory_space<vmem>>) target(%dma_start3A_44 : memref<64x512xf32, #tpu.memory_space<hbm>>) target_semaphore(%run_scoped3A : memref<!tpu.dma_semaphore, #tpu.memory_space<semaphore_mem>>)
      %dma_wait3A_45 = arith.constant 0 : i32
      %dma_wait3A_46 = tpu.memref_slice %arg4[%mul3A_40, %dma_wait3A_45] : memref<2048x512xf32, #tpu.memory_space<hbm>> -> memref<64x512xf32, #tpu.memory_space<hbm>>
      %dma_wait3A_47 = arith.constant 0 : i32
      %dma_wait3A_48 = tpu.memref_slice %arg4[%mul3A_40, %dma_wait3A_47] : memref<2048x512xf32, #tpu.memory_space<hbm>> -> memref<64x512xf32, #tpu.memory_space<hbm>>
      tpu.wait_dma2 semaphore(%run_scoped3A : memref<!tpu.dma_semaphore, #tpu.memory_space<semaphore_mem>>) src(%arg6 : memref<64x512xf32, #tpu.memory_space<vmem>>) dst(%dma_wait3A_48 : memref<64x512xf32, #tpu.memory_space<hbm>>)
      tpu.yield
    }) : () -> ()
    return
  }
}

module attributes {stable_mosaic.version = 14 : i64} {
  func.func @_tc_body_chained(%arg0: i32, %arg1: i32, %arg2: memref<8192x1024xf32, #tpu.memory_space<any>>, %arg3: memref<512x512xf32, #tpu.memory_space<vmem>>, %arg4: memref<512x512xf32, #tpu.memory_space<vmem>>, %arg5: memref<512x1024xbf16, #tpu.memory_space<vmem>>, %arg6: memref<1x1024xf32, #tpu.memory_space<vmem>>, %arg7: memref<1x1024xf32, #tpu.memory_space<vmem>>, %arg8: memref<512x1024xf32, #tpu.memory_space<vmem>>) attributes {dimension_semantics = [#tpu.dimension_semantics<arbitrary>, #tpu.dimension_semantics<arbitrary>], iteration_bounds = array<i64: 1, 4>, scalar_prefetch = 0 : i64, scratch_operands = 0 : i64, tpu.core_type = #tpu.core_type<tc>, window_params = [{}, {transform_indices = @transform_1, window_bounds = array<i64: 512, 512>}, {transform_indices = @transform_2, window_bounds = array<i64: 512, 512>}, {pipeline_mode = #tpu.pipeline_mode<synchronous>, transform_indices = @transform_3, window_bounds = array<i64: 512, 1024>}, {pipeline_mode = #tpu.pipeline_mode<synchronous>, transform_indices = @transform_4, window_bounds = array<i64: 1, 1024>}, {pipeline_mode = #tpu.pipeline_mode<synchronous>, transform_indices = @transform_5, window_bounds = array<i64: 1, 1024>}, {transform_indices = @transform_6, window_bounds = array<i64: 512, 1024>}]} {
    %get3A = arith.constant 0 : index
    %get3A_0 = arith.constant 0 : index
    %get3A_1 = vector.load %arg3[%get3A, %get3A_0] : memref<512x512xf32, #tpu.memory_space<vmem>>, vector<512x512xf32>
    %get3A_2 = arith.constant 0 : index
    %get3A_3 = arith.constant 0 : index
    %get3A_4 = vector.load %arg4[%get3A_2, %get3A_3] : memref<512x512xf32, #tpu.memory_space<vmem>>, vector<512x512xf32>
    %add3A = arith.addf %get3A_1, %get3A_4 : vector<512x512xf32>
    %convert_element_type3A = arith.truncf %add3A : vector<512x512xf32> to vector<512x512xbf16>
    %get3A_5 = arith.constant 0 : index
    %get3A_6 = arith.constant 0 : index
    %get3A_7 = vector.load %arg5[%get3A_5, %get3A_6] : memref<512x1024xbf16, #tpu.memory_space<vmem>>, vector<512x1024xbf16>
    %dot_general3A = arith.constant dense<0.000000e+00> : vector<512x1024xf32>
    %dot_general3A_8 = tpu.matmul %convert_element_type3A, %get3A_7, %dot_general3A {dimension_numbers = #tpu.dot_dimension_numbers<[1], [0], [0], [1], [0, 0, 1, 1], [], []>, transpose_lhs_hint = false} : vector<512x512xbf16>, vector<512x1024xbf16>, vector<512x1024xf32> -> vector<512x1024xf32>
    %reduce_sum3A = arith.constant dense<0.000000e+00> : vector<512xf32>
    %reduce_sum3A_9 = vector.multi_reduction <add>, %dot_general3A_8, %reduce_sum3A [1] : vector<512x1024xf32> to vector<512xf32>
    %broadcast_in_dim3A = vector.shape_cast %reduce_sum3A_9 : vector<512xf32> to vector<512x1xf32>
    %div3A = arith.constant 1.024000e+03 : f32
    %div3A_10 = vector.broadcast %div3A : f32 to vector<512x1xf32>
    %div3A_11 = arith.divf %broadcast_in_dim3A, %div3A_10 : vector<512x1xf32>
    %sub3A = vector.broadcast %div3A_11 : vector<512x1xf32> to vector<512x1024xf32>
    %sub3A_12 = arith.subf %dot_general3A_8, %sub3A : vector<512x1024xf32>
    %integer_pow3A = arith.mulf %sub3A_12, %sub3A_12 : vector<512x1024xf32>
    %reduce_sum3A_13 = arith.constant dense<0.000000e+00> : vector<512xf32>
    %reduce_sum3A_14 = vector.multi_reduction <add>, %integer_pow3A, %reduce_sum3A_13 [1] : vector<512x1024xf32> to vector<512xf32>
    %broadcast_in_dim3A_15 = vector.shape_cast %reduce_sum3A_14 : vector<512xf32> to vector<512x1xf32>
    %div3A_16 = arith.constant 1.024000e+03 : f32
    %div3A_17 = vector.broadcast %div3A_16 : f32 to vector<512x1xf32>
    %div3A_18 = arith.divf %broadcast_in_dim3A_15, %div3A_17 : vector<512x1xf32>
    %sub3A_19 = vector.broadcast %div3A_11 : vector<512x1xf32> to vector<512x1024xf32>
    %sub3A_20 = arith.subf %dot_general3A_8, %sub3A_19 : vector<512x1024xf32>
    %add3A_21 = arith.constant 1.000000e-07 : f32
    %add3A_22 = vector.broadcast %add3A_21 : f32 to vector<512x1xf32>
    %add3A_23 = arith.addf %div3A_18, %add3A_22 : vector<512x1xf32>
    %rsqrt3A = math.rsqrt %add3A_23 : vector<512x1xf32>
    %mul3A = vector.broadcast %rsqrt3A : vector<512x1xf32> to vector<512x1024xf32>
    %mul3A_24 = arith.mulf %sub3A_20, %mul3A : vector<512x1024xf32>
    %get3A_25 = arith.constant 0 : index
    %get3A_26 = arith.constant 0 : index
    %get3A_27 = vector.load %arg6[%get3A_25, %get3A_26] : memref<1x1024xf32, #tpu.memory_space<vmem>>, vector<1x1024xf32>
    %mul3A_28 = vector.broadcast %get3A_27 : vector<1x1024xf32> to vector<512x1024xf32>
    %mul3A_29 = arith.mulf %mul3A_24, %mul3A_28 : vector<512x1024xf32>
    %get3A_30 = arith.constant 0 : index
    %get3A_31 = arith.constant 0 : index
    %get3A_32 = vector.load %arg7[%get3A_30, %get3A_31] : memref<1x1024xf32, #tpu.memory_space<vmem>>, vector<1x1024xf32>
    %add3A_33 = vector.broadcast %get3A_32 : vector<1x1024xf32> to vector<512x1024xf32>
    %add3A_34 = arith.addf %mul3A_29, %add3A_33 : vector<512x1024xf32>
    %swap3A = arith.constant 0 : index
    %swap3A_35 = arith.constant 0 : index
    %swap3A_36 = vector.load %arg8[%swap3A, %swap3A_35] : memref<512x1024xf32, #tpu.memory_space<vmem>>, vector<512x1024xf32>
    tpu.vector_store %arg8[%swap3A, %swap3A_35], %add3A_34 {strides = array<i32>} : memref<512x1024xf32, #tpu.memory_space<vmem>>, vector<512x1024xf32>,
    return
  }
  func.func @transform_1(%arg0: i32, %arg1: i32) -> (i32, i32) {
    %c0_i32 = arith.constant 0 : i32
    %c0_i32_0 = arith.constant 0 : i32
    return %arg1, %c0_i32 : i32, i32
  }
  func.func @transform_2(%arg0: i32, %arg1: i32) -> (i32, i32) {
    %c1_i32 = arith.constant 1 : i32
    %c0_i32 = arith.constant 0 : i32
    %c0_i32_0 = arith.constant 0 : i32
    return %c1_i32, %c0_i32 : i32, i32
  }
  func.func @transform_3(%arg0: i32, %arg1: i32) -> (i32, i32) {
    %c0_i32 = arith.constant 0 : i32
    %c0_i32_0 = arith.constant 0 : i32
    %c0_i32_1 = arith.constant 0 : i32
    return %c0_i32, %c0_i32_0 : i32, i32
  }
  func.func @transform_4(%arg0: i32, %arg1: i32) -> (i32, i32) {
    %c0_i32 = arith.constant 0 : i32
    %c0_i32_0 = arith.constant 0 : i32
    %c0_i32_1 = arith.constant 0 : i32
    return %c0_i32, %c0_i32_0 : i32, i32
  }
  func.func @transform_5(%arg0: i32, %arg1: i32) -> (i32, i32) {
    %c0_i32 = arith.constant 0 : i32
    %c0_i32_0 = arith.constant 0 : i32
    %c0_i32_1 = arith.constant 0 : i32
    return %c0_i32, %c0_i32_0 : i32, i32
  }
  func.func @transform_6(%arg0: i32, %arg1: i32) -> (i32, i32) {
    %mul3A = arith.constant 4 : i32
    %mul3A_0 = arith.muli %arg1, %mul3A : i32
    %add3A = arith.constant 1 : i32
    %add3A_1 = arith.addi %mul3A_0, %add3A : i32
    %c0_i32 = arith.constant 0 : i32
    %c0_i32_2 = arith.constant 0 : i32
    return %add3A_1, %c0_i32 : i32, i32
  }
}

module attributes {stable_mosaic.version = 14 : i64} {
  func.func @_tc_body_chained(%arg0: i32, %arg1: i32, %arg2: memref<8192x1024xf32, #tpu.memory_space<any>>, %arg3: memref<512x512xf32, #tpu.memory_space<vmem>>, %arg4: memref<512x512xf32, #tpu.memory_space<vmem>>, %arg5: memref<512x1024xbf16, #tpu.memory_space<vmem>>, %arg6: memref<1x1024xf32, #tpu.memory_space<vmem>>, %arg7: memref<1x1024xf32, #tpu.memory_space<vmem>>, %arg8: memref<512x1024xf32, #tpu.memory_space<vmem>>) attributes {dimension_semantics = [#tpu.dimension_semantics<arbitrary>, #tpu.dimension_semantics<arbitrary>], iteration_bounds = array<i64: 1, 4>, scalar_prefetch = 0 : i64, scratch_operands = 0 : i64, tpu.core_type = #tpu.core_type<tc>, window_params = [{}, {transform_indices = @transform_1, window_bounds = array<i64: 512, 512>}, {transform_indices = @transform_2, window_bounds = array<i64: 512, 512>}, {pipeline_mode = #tpu.pipeline_mode<synchronous>, transform_indices = @transform_3, window_bounds = array<i64: 512, 1024>}, {pipeline_mode = #tpu.pipeline_mode<synchronous>, transform_indices = @transform_4, window_bounds = array<i64: 1, 1024>}, {pipeline_mode = #tpu.pipeline_mode<synchronous>, transform_indices = @transform_5, window_bounds = array<i64: 1, 1024>}, {transform_indices = @transform_6, window_bounds = array<i64: 512, 1024>}]} {
    %get3A = arith.constant 0 : index
    %get3A_0 = arith.constant 0 : index
    %get3A_1 = vector.load %arg3[%get3A, %get3A_0] : memref<512x512xf32, #tpu.memory_space<vmem>>, vector<512x512xf32>
    %get3A_2 = arith.constant 0 : index
    %get3A_3 = arith.constant 0 : index
    %get3A_4 = vector.load %arg4[%get3A_2, %get3A_3] : memref<512x512xf32, #tpu.memory_space<vmem>>, vector<512x512xf32>
    %add3A = arith.addf %get3A_1, %get3A_4 : vector<512x512xf32>
    %convert_element_type3A = arith.truncf %add3A : vector<512x512xf32> to vector<512x512xbf16>
    %get3A_5 = arith.constant 0 : index
    %get3A_6 = arith.constant 0 : index
    %get3A_7 = vector.load %arg5[%get3A_5, %get3A_6] : memref<512x1024xbf16, #tpu.memory_space<vmem>>, vector<512x1024xbf16>
    %dot_general3A = arith.constant dense<0.000000e+00> : vector<512x1024xf32>
    %dot_general3A_8 = tpu.matmul %convert_element_type3A, %get3A_7, %dot_general3A {dimension_numbers = #tpu.dot_dimension_numbers<[1], [0], [0], [1], [0, 0, 1, 1], [], []>, transpose_lhs_hint = false} : vector<512x512xbf16>, vector<512x1024xbf16>, vector<512x1024xf32> -> vector<512x1024xf32>
    %reduce_sum3A = arith.constant dense<0.000000e+00> : vector<512xf32>
    %reduce_sum3A_9 = vector.multi_reduction <add>, %dot_general3A_8, %reduce_sum3A [1] : vector<512x1024xf32> to vector<512xf32>
    %broadcast_in_dim3A = vector.shape_cast %reduce_sum3A_9 : vector<512xf32> to vector<512x1xf32>
    %div3A = arith.constant 1.024000e+03 : f32
    %div3A_10 = vector.broadcast %div3A : f32 to vector<512x1xf32>
    %div3A_11 = arith.divf %broadcast_in_dim3A, %div3A_10 : vector<512x1xf32>
    %sub3A = vector.broadcast %div3A_11 : vector<512x1xf32> to vector<512x1024xf32>
    %sub3A_12 = arith.subf %dot_general3A_8, %sub3A : vector<512x1024xf32>
    %integer_pow3A = arith.mulf %sub3A_12, %sub3A_12 : vector<512x1024xf32>
    %reduce_sum3A_13 = arith.constant dense<0.000000e+00> : vector<512xf32>
    %reduce_sum3A_14 = vector.multi_reduction <add>, %integer_pow3A, %reduce_sum3A_13 [1] : vector<512x1024xf32> to vector<512xf32>
    %broadcast_in_dim3A_15 = vector.shape_cast %reduce_sum3A_14 : vector<512xf32> to vector<512x1xf32>
    %div3A_16 = arith.constant 1.024000e+03 : f32
    %div3A_17 = vector.broadcast %div3A_16 : f32 to vector<512x1xf32>
    %div3A_18 = arith.divf %broadcast_in_dim3A_15, %div3A_17 : vector<512x1xf32>
    %sub3A_19 = vector.broadcast %div3A_11 : vector<512x1xf32> to vector<512x1024xf32>
    %sub3A_20 = arith.subf %dot_general3A_8, %sub3A_19 : vector<512x1024xf32>
    %add3A_21 = arith.constant 1.000000e-07 : f32
    %add3A_22 = vector.broadcast %add3A_21 : f32 to vector<512x1xf32>
    %add3A_23 = arith.addf %div3A_18, %add3A_22 : vector<512x1xf32>
    %rsqrt3A = math.rsqrt %add3A_23 : vector<512x1xf32>
    %mul3A = vector.broadcast %rsqrt3A : vector<512x1xf32> to vector<512x1024xf32>
    %mul3A_24 = arith.mulf %sub3A_20, %mul3A : vector<512x1024xf32>
    %get3A_25 = arith.constant 0 : index
    %get3A_26 = arith.constant 0 : index
    %get3A_27 = vector.load %arg6[%get3A_25, %get3A_26] : memref<1x1024xf32, #tpu.memory_space<vmem>>, vector<1x1024xf32>
    %mul3A_28 = vector.broadcast %get3A_27 : vector<1x1024xf32> to vector<512x1024xf32>
    %mul3A_29 = arith.mulf %mul3A_24, %mul3A_28 : vector<512x1024xf32>
    %get3A_30 = arith.constant 0 : index
    %get3A_31 = arith.constant 0 : index
    %get3A_32 = vector.load %arg7[%get3A_30, %get3A_31] : memref<1x1024xf32, #tpu.memory_space<vmem>>, vector<1x1024xf32>
    %add3A_33 = vector.broadcast %get3A_32 : vector<1x1024xf32> to vector<512x1024xf32>
    %add3A_34 = arith.addf %mul3A_29, %add3A_33 : vector<512x1024xf32>
    %swap3A = arith.constant 0 : index
    %swap3A_35 = arith.constant 0 : index
    %swap3A_36 = vector.load %arg8[%swap3A, %swap3A_35] : memref<512x1024xf32, #tpu.memory_space<vmem>>, vector<512x1024xf32>
    tpu.vector_store %arg8[%swap3A, %swap3A_35], %add3A_34 {strides = array<i32>} : memref<512x1024xf32, #tpu.memory_space<vmem>>, vector<512x1024xf32>,
    return
  }
  func.func @transform_1(%arg0: i32, %arg1: i32) -> (i32, i32) {
    %c0_i32 = arith.constant 0 : i32
    %c0_i32_0 = arith.constant 0 : i32
    return %arg1, %c0_i32 : i32, i32
  }
  func.func @transform_2(%arg0: i32, %arg1: i32) -> (i32, i32) {
    %c2_i32 = arith.constant 2 : i32
    %c0_i32 = arith.constant 0 : i32
    %c0_i32_0 = arith.constant 0 : i32
    return %c2_i32, %c0_i32 : i32, i32
  }
  func.func @transform_3(%arg0: i32, %arg1: i32) -> (i32, i32) {
    %c0_i32 = arith.constant 0 : i32
    %c0_i32_0 = arith.constant 0 : i32
    %c0_i32_1 = arith.constant 0 : i32
    return %c0_i32, %c0_i32_0 : i32, i32
  }
  func.func @transform_4(%arg0: i32, %arg1: i32) -> (i32, i32) {
    %c0_i32 = arith.constant 0 : i32
    %c0_i32_0 = arith.constant 0 : i32
    %c0_i32_1 = arith.constant 0 : i32
    return %c0_i32, %c0_i32_0 : i32, i32
  }
  func.func @transform_5(%arg0: i32, %arg1: i32) -> (i32, i32) {
    %c0_i32 = arith.constant 0 : i32
    %c0_i32_0 = arith.constant 0 : i32
    %c0_i32_1 = arith.constant 0 : i32
    return %c0_i32, %c0_i32_0 : i32, i32
  }
  func.func @transform_6(%arg0: i32, %arg1: i32) -> (i32, i32) {
    %mul3A = arith.constant 4 : i32
    %mul3A_0 = arith.muli %arg1, %mul3A : i32
    %add3A = arith.constant 2 : i32
    %add3A_1 = arith.addi %mul3A_0, %add3A : i32
    %c0_i32 = arith.constant 0 : i32
    %c0_i32_2 = arith.constant 0 : i32
    return %add3A_1, %c0_i32 : i32, i32
  }
}

module attributes {stable_mosaic.version = 14 : i64} {
  func.func @_tc_body_first(%arg0: i32, %arg1: i32, %arg2: memref<512x512xf32, #tpu.memory_space<vmem>>, %arg3: memref<512x512xf32, #tpu.memory_space<vmem>>, %arg4: memref<512x1024xbf16, #tpu.memory_space<vmem>>, %arg5: memref<1x1024xf32, #tpu.memory_space<vmem>>, %arg6: memref<1x1024xf32, #tpu.memory_space<vmem>>, %arg7: memref<512x1024xf32, #tpu.memory_space<vmem>>) attributes {dimension_semantics = [#tpu.dimension_semantics<arbitrary>, #tpu.dimension_semantics<arbitrary>], iteration_bounds = array<i64: 1, 4>, scalar_prefetch = 0 : i64, scratch_operands = 0 : i64, tpu.core_type = #tpu.core_type<tc>, window_params = [{transform_indices = @transform_0, window_bounds = array<i64: 512, 512>}, {transform_indices = @transform_1, window_bounds = array<i64: 512, 512>}, {pipeline_mode = #tpu.pipeline_mode<synchronous>, transform_indices = @transform_2, window_bounds = array<i64: 512, 1024>}, {pipeline_mode = #tpu.pipeline_mode<synchronous>, transform_indices = @transform_3, window_bounds = array<i64: 1, 1024>}, {pipeline_mode = #tpu.pipeline_mode<synchronous>, transform_indices = @transform_4, window_bounds = array<i64: 1, 1024>}, {transform_indices = @transform_5, window_bounds = array<i64: 512, 1024>}]} {
    %get3A = arith.constant 0 : index
    %get3A_0 = arith.constant 0 : index
    %get3A_1 = vector.load %arg2[%get3A, %get3A_0] : memref<512x512xf32, #tpu.memory_space<vmem>>, vector<512x512xf32>
    %get3A_2 = arith.constant 0 : index
    %get3A_3 = arith.constant 0 : index
    %get3A_4 = vector.load %arg3[%get3A_2, %get3A_3] : memref<512x512xf32, #tpu.memory_space<vmem>>, vector<512x512xf32>
    %add3A = arith.addf %get3A_1, %get3A_4 : vector<512x512xf32>
    %convert_element_type3A = arith.truncf %add3A : vector<512x512xf32> to vector<512x512xbf16>
    %get3A_5 = arith.constant 0 : index
    %get3A_6 = arith.constant 0 : index
    %get3A_7 = vector.load %arg4[%get3A_5, %get3A_6] : memref<512x1024xbf16, #tpu.memory_space<vmem>>, vector<512x1024xbf16>
    %dot_general3A = arith.constant dense<0.000000e+00> : vector<512x1024xf32>
    %dot_general3A_8 = tpu.matmul %convert_element_type3A, %get3A_7, %dot_general3A {dimension_numbers = #tpu.dot_dimension_numbers<[1], [0], [0], [1], [0, 0, 1, 1], [], []>, transpose_lhs_hint = false} : vector<512x512xbf16>, vector<512x1024xbf16>, vector<512x1024xf32> -> vector<512x1024xf32>
    %reduce_sum3A = arith.constant dense<0.000000e+00> : vector<512xf32>
    %reduce_sum3A_9 = vector.multi_reduction <add>, %dot_general3A_8, %reduce_sum3A [1] : vector<512x1024xf32> to vector<512xf32>
    %broadcast_in_dim3A = vector.shape_cast %reduce_sum3A_9 : vector<512xf32> to vector<512x1xf32>
    %div3A = arith.constant 1.024000e+03 : f32
    %div3A_10 = vector.broadcast %div3A : f32 to vector<512x1xf32>
    %div3A_11 = arith.divf %broadcast_in_dim3A, %div3A_10 : vector<512x1xf32>
    %sub3A = vector.broadcast %div3A_11 : vector<512x1xf32> to vector<512x1024xf32>
    %sub3A_12 = arith.subf %dot_general3A_8, %sub3A : vector<512x1024xf32>
    %integer_pow3A = arith.mulf %sub3A_12, %sub3A_12 : vector<512x1024xf32>
    %reduce_sum3A_13 = arith.constant dense<0.000000e+00> : vector<512xf32>
    %reduce_sum3A_14 = vector.multi_reduction <add>, %integer_pow3A, %reduce_sum3A_13 [1] : vector<512x1024xf32> to vector<512xf32>
    %broadcast_in_dim3A_15 = vector.shape_cast %reduce_sum3A_14 : vector<512xf32> to vector<512x1xf32>
    %div3A_16 = arith.constant 1.024000e+03 : f32
    %div3A_17 = vector.broadcast %div3A_16 : f32 to vector<512x1xf32>
    %div3A_18 = arith.divf %broadcast_in_dim3A_15, %div3A_17 : vector<512x1xf32>
    %sub3A_19 = vector.broadcast %div3A_11 : vector<512x1xf32> to vector<512x1024xf32>
    %sub3A_20 = arith.subf %dot_general3A_8, %sub3A_19 : vector<512x1024xf32>
    %add3A_21 = arith.constant 1.000000e-07 : f32
    %add3A_22 = vector.broadcast %add3A_21 : f32 to vector<512x1xf32>
    %add3A_23 = arith.addf %div3A_18, %add3A_22 : vector<512x1xf32>
    %rsqrt3A = math.rsqrt %add3A_23 : vector<512x1xf32>
    %mul3A = vector.broadcast %rsqrt3A : vector<512x1xf32> to vector<512x1024xf32>
    %mul3A_24 = arith.mulf %sub3A_20, %mul3A : vector<512x1024xf32>
    %get3A_25 = arith.constant 0 : index
    %get3A_26 = arith.constant 0 : index
    %get3A_27 = vector.load %arg5[%get3A_25, %get3A_26] : memref<1x1024xf32, #tpu.memory_space<vmem>>, vector<1x1024xf32>
    %mul3A_28 = vector.broadcast %get3A_27 : vector<1x1024xf32> to vector<512x1024xf32>
    %mul3A_29 = arith.mulf %mul3A_24, %mul3A_28 : vector<512x1024xf32>
    %get3A_30 = arith.constant 0 : index
    %get3A_31 = arith.constant 0 : index
    %get3A_32 = vector.load %arg6[%get3A_30, %get3A_31] : memref<1x1024xf32, #tpu.memory_space<vmem>>, vector<1x1024xf32>
    %add3A_33 = vector.broadcast %get3A_32 : vector<1x1024xf32> to vector<512x1024xf32>
    %add3A_34 = arith.addf %mul3A_29, %add3A_33 : vector<512x1024xf32>
    %swap3A = arith.constant 0 : index
    %swap3A_35 = arith.constant 0 : index
    %swap3A_36 = vector.load %arg7[%swap3A, %swap3A_35] : memref<512x1024xf32, #tpu.memory_space<vmem>>, vector<512x1024xf32>
    tpu.vector_store %arg7[%swap3A, %swap3A_35], %add3A_34 {strides = array<i32>} : memref<512x1024xf32, #tpu.memory_space<vmem>>, vector<512x1024xf32>,
    return
  }
  func.func @transform_0(%arg0: i32, %arg1: i32) -> (i32, i32) {
    %c0_i32 = arith.constant 0 : i32
    %c0_i32_0 = arith.constant 0 : i32
    return %arg1, %c0_i32 : i32, i32
  }
  func.func @transform_1(%arg0: i32, %arg1: i32) -> (i32, i32) {
    %c0_i32 = arith.constant 0 : i32
    %c0_i32_0 = arith.constant 0 : i32
    %c0_i32_1 = arith.constant 0 : i32
    return %c0_i32, %c0_i32_0 : i32, i32
  }
  func.func @transform_2(%arg0: i32, %arg1: i32) -> (i32, i32) {
    %c0_i32 = arith.constant 0 : i32
    %c0_i32_0 = arith.constant 0 : i32
    %c0_i32_1 = arith.constant 0 : i32
    return %c0_i32, %c0_i32_0 : i32, i32
  }
  func.func @transform_3(%arg0: i32, %arg1: i32) -> (i32, i32) {
    %c0_i32 = arith.constant 0 : i32
    %c0_i32_0 = arith.constant 0 : i32
    %c0_i32_1 = arith.constant 0 : i32
    return %c0_i32, %c0_i32_0 : i32, i32
  }
  func.func @transform_4(%arg0: i32, %arg1: i32) -> (i32, i32) {
    %c0_i32 = arith.constant 0 : i32
    %c0_i32_0 = arith.constant 0 : i32
    %c0_i32_1 = arith.constant 0 : i32
    return %c0_i32, %c0_i32_0 : i32, i32
  }
  func.func @transform_5(%arg0: i32, %arg1: i32) -> (i32, i32) {
    %mul3A = arith.constant 4 : i32
    %mul3A_0 = arith.muli %arg1, %mul3A : i32
    %add3A = arith.constant 0 : i32
    %add3A_1 = arith.addi %mul3A_0, %add3A : i32
    %c0_i32 = arith.constant 0 : i32
    %c0_i32_2 = arith.constant 0 : i32
    return %add3A_1, %c0_i32 : i32, i32
  }
}

module attributes {stable_mosaic.version = 14 : i64} {
  func.func @_tc_body_chained(%arg0: i32, %arg1: i32, %arg2: memref<8192x1024xf32, #tpu.memory_space<any>>, %arg3: memref<512x512xf32, #tpu.memory_space<vmem>>, %arg4: memref<512x512xf32, #tpu.memory_space<vmem>>, %arg5: memref<512x1024xbf16, #tpu.memory_space<vmem>>, %arg6: memref<1x1024xf32, #tpu.memory_space<vmem>>, %arg7: memref<1x1024xf32, #tpu.memory_space<vmem>>, %arg8: memref<512x1024xf32, #tpu.memory_space<vmem>>) attributes {dimension_semantics = [#tpu.dimension_semantics<arbitrary>, #tpu.dimension_semantics<arbitrary>], iteration_bounds = array<i64: 1, 4>, scalar_prefetch = 0 : i64, scratch_operands = 0 : i64, tpu.core_type = #tpu.core_type<tc>, window_params = [{}, {transform_indices = @transform_1, window_bounds = array<i64: 512, 512>}, {transform_indices = @transform_2, window_bounds = array<i64: 512, 512>}, {pipeline_mode = #tpu.pipeline_mode<synchronous>, transform_indices = @transform_3, window_bounds = array<i64: 512, 1024>}, {pipeline_mode = #tpu.pipeline_mode<synchronous>, transform_indices = @transform_4, window_bounds = array<i64: 1, 1024>}, {pipeline_mode = #tpu.pipeline_mode<synchronous>, transform_indices = @transform_5, window_bounds = array<i64: 1, 1024>}, {transform_indices = @transform_6, window_bounds = array<i64: 512, 1024>}]} {
    %get3A = arith.constant 0 : index
    %get3A_0 = arith.constant 0 : index
    %get3A_1 = vector.load %arg3[%get3A, %get3A_0] : memref<512x512xf32, #tpu.memory_space<vmem>>, vector<512x512xf32>
    %get3A_2 = arith.constant 0 : index
    %get3A_3 = arith.constant 0 : index
    %get3A_4 = vector.load %arg4[%get3A_2, %get3A_3] : memref<512x512xf32, #tpu.memory_space<vmem>>, vector<512x512xf32>
    %add3A = arith.addf %get3A_1, %get3A_4 : vector<512x512xf32>
    %convert_element_type3A = arith.truncf %add3A : vector<512x512xf32> to vector<512x512xbf16>
    %get3A_5 = arith.constant 0 : index
    %get3A_6 = arith.constant 0 : index
    %get3A_7 = vector.load %arg5[%get3A_5, %get3A_6] : memref<512x1024xbf16, #tpu.memory_space<vmem>>, vector<512x1024xbf16>
    %dot_general3A = arith.constant dense<0.000000e+00> : vector<512x1024xf32>
    %dot_general3A_8 = tpu.matmul %convert_element_type3A, %get3A_7, %dot_general3A {dimension_numbers = #tpu.dot_dimension_numbers<[1], [0], [0], [1], [0, 0, 1, 1], [], []>, transpose_lhs_hint = false} : vector<512x512xbf16>, vector<512x1024xbf16>, vector<512x1024xf32> -> vector<512x1024xf32>
    %reduce_sum3A = arith.constant dense<0.000000e+00> : vector<512xf32>
    %reduce_sum3A_9 = vector.multi_reduction <add>, %dot_general3A_8, %reduce_sum3A [1] : vector<512x1024xf32> to vector<512xf32>
    %broadcast_in_dim3A = vector.shape_cast %reduce_sum3A_9 : vector<512xf32> to vector<512x1xf32>
    %div3A = arith.constant 1.024000e+03 : f32
    %div3A_10 = vector.broadcast %div3A : f32 to vector<512x1xf32>
    %div3A_11 = arith.divf %broadcast_in_dim3A, %div3A_10 : vector<512x1xf32>
    %sub3A = vector.broadcast %div3A_11 : vector<512x1xf32> to vector<512x1024xf32>
    %sub3A_12 = arith.subf %dot_general3A_8, %sub3A : vector<512x1024xf32>
    %integer_pow3A = arith.mulf %sub3A_12, %sub3A_12 : vector<512x1024xf32>
    %reduce_sum3A_13 = arith.constant dense<0.000000e+00> : vector<512xf32>
    %reduce_sum3A_14 = vector.multi_reduction <add>, %integer_pow3A, %reduce_sum3A_13 [1] : vector<512x1024xf32> to vector<512xf32>
    %broadcast_in_dim3A_15 = vector.shape_cast %reduce_sum3A_14 : vector<512xf32> to vector<512x1xf32>
    %div3A_16 = arith.constant 1.024000e+03 : f32
    %div3A_17 = vector.broadcast %div3A_16 : f32 to vector<512x1xf32>
    %div3A_18 = arith.divf %broadcast_in_dim3A_15, %div3A_17 : vector<512x1xf32>
    %sub3A_19 = vector.broadcast %div3A_11 : vector<512x1xf32> to vector<512x1024xf32>
    %sub3A_20 = arith.subf %dot_general3A_8, %sub3A_19 : vector<512x1024xf32>
    %add3A_21 = arith.constant 1.000000e-07 : f32
    %add3A_22 = vector.broadcast %add3A_21 : f32 to vector<512x1xf32>
    %add3A_23 = arith.addf %div3A_18, %add3A_22 : vector<512x1xf32>
    %rsqrt3A = math.rsqrt %add3A_23 : vector<512x1xf32>
    %mul3A = vector.broadcast %rsqrt3A : vector<512x1xf32> to vector<512x1024xf32>
    %mul3A_24 = arith.mulf %sub3A_20, %mul3A : vector<512x1024xf32>
    %get3A_25 = arith.constant 0 : index
    %get3A_26 = arith.constant 0 : index
    %get3A_27 = vector.load %arg6[%get3A_25, %get3A_26] : memref<1x1024xf32, #tpu.memory_space<vmem>>, vector<1x1024xf32>
    %mul3A_28 = vector.broadcast %get3A_27 : vector<1x1024xf32> to vector<512x1024xf32>
    %mul3A_29 = arith.mulf %mul3A_24, %mul3A_28 : vector<512x1024xf32>
    %get3A_30 = arith.constant 0 : index
    %get3A_31 = arith.constant 0 : index
    %get3A_32 = vector.load %arg7[%get3A_30, %get3A_31] : memref<1x1024xf32, #tpu.memory_space<vmem>>, vector<1x1024xf32>
    %add3A_33 = vector.broadcast %get3A_32 : vector<1x1024xf32> to vector<512x1024xf32>
    %add3A_34 = arith.addf %mul3A_29, %add3A_33 : vector<512x1024xf32>
    %swap3A = arith.constant 0 : index
    %swap3A_35 = arith.constant 0 : index
    %swap3A_36 = vector.load %arg8[%swap3A, %swap3A_35] : memref<512x1024xf32, #tpu.memory_space<vmem>>, vector<512x1024xf32>
    tpu.vector_store %arg8[%swap3A, %swap3A_35], %add3A_34 {strides = array<i32>} : memref<512x1024xf32, #tpu.memory_space<vmem>>, vector<512x1024xf32>,
    return
  }
  func.func @transform_1(%arg0: i32, %arg1: i32) -> (i32, i32) {
    %c0_i32 = arith.constant 0 : i32
    %c0_i32_0 = arith.constant 0 : i32
    return %arg1, %c0_i32 : i32, i32
  }
  func.func @transform_2(%arg0: i32, %arg1: i32) -> (i32, i32) {
    %c3_i32 = arith.constant 3 : i32
    %c0_i32 = arith.constant 0 : i32
    %c0_i32_0 = arith.constant 0 : i32
    return %c3_i32, %c0_i32 : i32, i32
  }
  func.func @transform_3(%arg0: i32, %arg1: i32) -> (i32, i32) {
    %c0_i32 = arith.constant 0 : i32
    %c0_i32_0 = arith.constant 0 : i32
    %c0_i32_1 = arith.constant 0 : i32
    return %c0_i32, %c0_i32_0 : i32, i32
  }
  func.func @transform_4(%arg0: i32, %arg1: i32) -> (i32, i32) {
    %c0_i32 = arith.constant 0 : i32
    %c0_i32_0 = arith.constant 0 : i32
    %c0_i32_1 = arith.constant 0 : i32
    return %c0_i32, %c0_i32_0 : i32, i32
  }
  func.func @transform_5(%arg0: i32, %arg1: i32) -> (i32, i32) {
    %c0_i32 = arith.constant 0 : i32
    %c0_i32_0 = arith.constant 0 : i32
    %c0_i32_1 = arith.constant 0 : i32
    return %c0_i32, %c0_i32_0 : i32, i32
  }
  func.func @transform_6(%arg0: i32, %arg1: i32) -> (i32, i32) {
    %mul3A = arith.constant 4 : i32
    %mul3A_0 = arith.muli %arg1, %mul3A : i32
    %add3A = arith.constant 3 : i32
    %add3A_1 = arith.addi %mul3A_0, %add3A : i32
    %c0_i32 = arith.constant 0 : i32
    %c0_i32_2 = arith.constant 0 : i32
    return %add3A_1, %c0_i32 : i32, i32
  }
}

</mosaic_0001>

<sc_bundles>
// kernel: kernel.10.cloned.1.call-start
scs
__scs_entry_jumppad:
0x0: {  	(pc) =	sbr.rel $0x88, $3  }
0x1: {  	(tag) =	ssettag $0x0;
	lr =	simm.s32 $0x1  }
0x2: {  	[smem:$0x3F9B] =	sst lr;
	_ =	strace $0xD0000000  }
0x3: {  	_ = 	snop  }
0x4: {  	_ = 	snop  }
0x5: {  	_ = 	snop  }
0x6: {  	_ = 	snop  }
0x7: {  	_ = 	snop  }
__scs_overlays_trampoline_lowered:
0x8: {  	[smem:$0x3FAA] =	sst s0  }
0x9: {  	[smem:$0x3FAB] =	sst s1  }
0xa: {  	[smem:$0x3FAC] =	sst s2  }
0xb: {  	[smem:$0x3FAD] =	sst s3  }
0xc: {  	[smem:$0x3FAE] =	sst s4  }
0xd: {  	[smem:$0x3FAF] =	sst s5  }
0xe: {  	[smem:$0x3FB0] =	sst s6  }
0xf: {  	[smem:$0x3FB1] =	sst s7  }
0x10: {  	[smem:$0x3FB2] =	sst s8  }
0x11: {  	[smem:$0x3FB3] =	sst s9;
	s0 =	simm.s32 @!p0 $0x0  }
0x12: {  	s1 =	sld [smem:$0x3F99];
	s0 =	simm.s32 @p0 $0x1  }
0x13: {  	[smem:$0x3FB4] =	sst s0;
	s0 =	simm.s32 @!p1 $0x0  }
0x14: {  	s2 =	sld [smem:$0x3F98];
	s0 =	simm.s32 @p1 $0x1  }
0x15: {  	[smem:$0x3FB5] =	sst s0;
	s0 =	simm.s32 @!p2 $0x0  }
0x16: {  	s3 =	sld [smem:$0x3FDB];
	s0 =	simm.s32 @p2 $0x1  }
0x17: {  	s4 =	simm.s32 $0x1BF5;
	[smem:$0x3FB7] =	sst s0  }
0x18: {  	s0 =	sld [smem:$0x3F9A];
	_ =	swait.ge [sflag:s4], $0x0  }
0x19: {  	s7 =	sld [smem:$0x3F9B]  }
0x1a: {  	s8 =	sadd.s32 $0xFFFFE003, lr  }
0x1b: {  	s9 =	sadd.s32 $0xFFFFFEF7, lr;
	s5 =	simm.s32 $0xFFFFFFFF;
	p2 =	slt.u32 s8, $0xFFFFF086  }
0x1c: {  	p1 =	slt.u32 s9, $0xF7A;
	s5 =	simm.s32 @!p2 $0x0  }
0x1d: {  	s5 =	simm.s32 @p1 $0x1;
	p0 =	seq.s32 s7, s2  }
0x1e: {  	s7 =	smul.u32 @!p0 $0xF7A, s2;
	p2 =	seq.s32 @!p0 s5, $0x0  }
0x1f: {  	s9 =	smul.u32 $0xF7A, s1;
	s8 =	simm.s32 @!p0 $0x1BF5;
	p2 =	por !p2, p0  }
0x20: {  	[sflag:s8] =	ssyncset.s32 @!p0 $0xFFFFF086;
	s6 =	sadd.s32 @!p0 s3, s7;
	s7 =	simm.s32 @!p0 $0x108  }
0x21: {  	s3 =	sadd.s32 s3, s9;
	s6 =	sadd.s32 @!p0 $0x88, s6;
	s7 =	simm.s32 @p2 $0x1082  }
0x22: {  	[simem:s7], [sflag:s8] =	dma.local @!p0 [hbm:s6], $0xF7A  }
0x23: {  	s9 =	sor.u32 $0xD0000000, s2;
	s6 =	simm.s32 $0x108;
	_ =	swait.ge @!p0 [sflag:s8], $0x0  }
0x24: {  	s3 =	sadd.s32 $0x88, s3;
	s6 =	simm.s32 @!p1 $0x1082;
	[sflag:s4] =	ssyncset.s32 $0xFFFFF086  }
0x25: {  	[simem:s6], [sflag:s4] =	dma.local [hbm:s3], $0xF7A  }
0x26: {  	[smem:$0x3F9B] =	sst s1;
	(tag) =	ssettag s2;
	_ =	strace s9  }
0x27: {  	s1 =	sld [smem:$0x3FAB]  }
0x28: {  	s2 =	sld [smem:$0x3FAC]  }
0x29: {  	s4 =	sld [smem:$0x3FAE]  }
0x2a: {  	p0 =	seq.s32 s5, $0x0;
	s5 =	sld [smem:$0x3FAF]  }
0x2b: {  	s6 =	sld [smem:$0x3FB0]  }
0x2c: {  	s7 =	sld [smem:$0x3FB1]  }
0x2d: {  	s3 =	simm.s32 $0x108;
	s8 =	sld [smem:$0x3FB2]  }
0x2e: {  	s3 =	simm.s32 @!p0 $0x1082;
	s9 =	sld [smem:$0x3FB3]  }
0x2f: {  	lr =	sadd.s32 s0, s3;
	s0 =	sld [smem:$0x3FAA]  }
0x30: {  	s3 =	sld [smem:$0x3FAD]  }
0x31: {  	[smem:$0x3FB6] =	sst s10  }
0x32: {  	s10 =	sld [smem:$0x3FB4];
	_ =	sdelay $0x3  }
0x33: {  	p0 =	seq.s32 s10, $0x1;
	s10 =	sld [smem:$0x3FB6];
	_ =	sdelay $0x3  }
0x34: {  	[smem:$0x3FB6] =	sst s10  }
0x35: {  	s10 =	sld [smem:$0x3FB5];
	_ =	sdelay $0x3  }
0x36: {  	p1 =	seq.s32 s10, $0x1;
	s10 =	sld [smem:$0x3FB6];
	_ =	sdelay $0x3  }
0x37: {  	[smem:$0x3FB6] =	sst s10  }
0x38: {  	s10 =	sld [smem:$0x3FB7]  }
0x39: {  	_ = 	snop;
	(pc) =	sbr.ind lr, $3  }
0x3a: {  	_ = 	snop  }
0x3b: {  	_ = 	snop  }
0x3c: {  	p2 =	seq.s32 s10, $0x1;
	s10 =	sld [smem:$0x3FB6]  }
0x3d: {  	_ =	shalt  }
0x3e: {  	_ =	shalt  }
0x3f: {  	_ =	shalt  }
0x40: {  	_ =	shalt  }
0x41: {  	_ =	shalt  }
0x42: {  	_ =	shalt  }
0x43: {  	_ =	shalt  }
0x44: {  	_ =	shalt  }
0x45: {  	_ =	shalt  }
0x46: {  	_ =	shalt  }
0x47: {  	_ =	shalt  }
0x48: {  	_ =	shalt  }
0x49: {  	_ =	shalt  }
0x4a: {  	_ =	shalt  }
0x4b: {  	_ =	shalt  }
0x4c: {  	_ =	shalt  }
0x4d: {  	_ =	shalt  }
0x4e: {  	_ =	shalt  }
0x4f: {  	_ =	shalt  }
0x50: {  	_ =	shalt  }
0x51: {  	_ =	shalt  }
0x52: {  	_ =	shalt  }
0x53: {  	_ =	shalt  }
0x54: {  	_ =	shalt  }
0x55: {  	_ =	shalt  }
0x56: {  	_ =	shalt  }
0x57: {  	_ =	shalt  }
0x58: {  	_ =	shalt  }
0x59: {  	_ =	shalt  }
0x5a: {  	_ =	shalt  }
0x5b: {  	_ =	shalt  }
0x5c: {  	_ =	shalt  }
0x5d: {  	_ =	shalt  }
0x5e: {  	_ =	shalt  }
0x5f: {  	_ =	shalt  }
0x60: {  	_ =	shalt  }
0x61: {  	_ =	shalt  }
0x62: {  	_ =	shalt  }
0x63: {  	_ =	shalt  }
0x64: {  	_ =	shalt  }
0x65: {  	_ =	shalt  }
0x66: {  	_ =	shalt  }
0x67: {  	_ =	shalt  }
0x68: {  	_ =	shalt  }
0x69: {  	_ =	shalt  }
0x6a: {  	_ =	shalt  }
0x6b: {  	_ =	shalt  }
0x6c: {  	_ =	shalt  }
0x6d: {  	_ =	shalt  }
0x6e: {  	_ =	shalt  }
0x6f: {  	_ =	shalt  }
0x70: {  	_ =	shalt  }
0x71: {  	_ =	shalt  }
0x72: {  	_ =	shalt  }
0x73: {  	_ =	shalt  }
0x74: {  	_ =	shalt  }
0x75: {  	_ =	shalt  }
0x76: {  	_ =	shalt  }
0x77: {  	_ =	shalt  }
0x78: {  	_ =	shalt  }
0x79: {  	_ =	shalt  }
0x7a: {  	_ =	shalt  }
0x7b: {  	_ =	shalt  }
0x7c: {  	_ =	shalt  }
0x7d: {  	_ =	shalt  }
0x7e: {  	_ =	shalt  }
0x7f: {  	_ =	shalt  }
0x80: {  	_ =	shalt  }
0x81: {  	_ =	shalt  }
0x82: {  	_ =	shalt  }
0x83: {  	_ =	shalt  }
0x84: {  	_ =	shalt  }
0x85: {  	_ =	shalt  }
0x86: {  	_ =	shalt  }
0x87: {  	_ =	shalt  }
.Lfunc_end0:
.L_simem_size_0:
called_computation_lowered:
.L_overlay_start_0:
0x88: {  	s2 =	sld [smem:$0x3FD9]  }
0x89: {  	s3 =	sld [smem:$0x3FFE];
	_ =	sdelay $0x1  }
0x8a: {  	s1 =	srdreg.scid  }
0x8b: {  	s0 =	sand.u32 $0x1, s1  }
0x8c: {  	s18 =	sshll.u32 s0, $0xA;
	s2 =	sadd.s32 s3, s2  }
0x8d: {  	s2 =	sadd.s32 s2, s18  }
0x8e: {  	[smem:$0x3FC2] =	sst s2  }
0x8f: {  	_ = 	snop  }
0x90: {  	s2 =	sld [smem:$0x3FC9]  }
0x91: {  	s19 =	sld [smem:$0x3FC8]  }
0x92: {  	s4 =	sld [smem:$0x3FD0];
	(tm) =	ssettm $0x1  }
0x93: {  	s5 =	sld [smem:$0x3FFB];
	_ =	sdelay $0x3  }
0x94: {  	_ =	strace s5  }
0x95: {  	s5 =	sld [smem:$0x3FFC];
	_ =	sdelay $0x3  }
0x96: {  	_ =	strace s5  }
0x97: {  	s5 =	sld [smem:$0x3FFD];
	_ =	sdelay $0x3  }
0x98: {  	_ =	strace s5  }
0x99: {  	_ =	strace $0x8FFFFFFF  }
0x9a: {  	s20 =	sld [smem:$0x3FDB];
	_ =	sdelay $0x1  }
0x9b: {  	s6 =	simm.s32 $_scs_section_size  }
0x9c: {  	s7 =	simm.s32 $_size__tile_overlayer_lowered;
	s8 =	simm.s32 $_tile_overlayer_lowered  }
0x9d: {  	s23 =	simm.s32 $0x1BFF;
	s22 =	sshll.u32 s8, $0x1;
	s5 =	sadd.s32 s6, s20  }
0x9e: {  	s9 =	simm.s32 $0x0;
	s21 =	sshll.u32 s7, $0x1;
	s7 =	sadd.s32 s22, s5  }
0x9f: {  	[timem:s9], [sflag:s23] =	dma.local [hbm:s7], s21  }
0xa0: {  	_ =	swait.ge [sflag:s23], s21  }
0xa1: {  	s6 =	ssub.s32 $0x0, s21;
	[sflag:s23] =	ssyncset.done $0x0  }
0xa2: {  	[sflag:s23] =	ssyncadd.s32 s6;
	_ =	sdelay $0x1  }
0xa3: {  	s24 =	simm.s32 $0x1B8B  }
0xa4: {  	_ =	swait.ge [sflag:s24], $0x1  }
0xa5: {  	[sflag:s24] =	ssyncset.done $0x0  }
0xa6: {  	s25 =	simm.s32 $0x1B8E;
	[sflag:s24] =	ssyncadd.s32 $0xFFFFFFFF  }
0xa7: {  	s26 =	simm.s32 $execute0_lowered;
	[smem:$0x3FD2] =	sst s25  }
0xa8: {  	s6 =	sshll.u32 s26, $0x1;
	_ =	strace $0x80000046;
	[dreg:$0x1] =	wrdreg $0xFFFFFFFF  }
0xa9: {  	s28 =	simm.s32 $_size_execute0_lowered;
	s5 =	sadd.s32 s5, s6;
	[dreg:$0x0] =	wrdreg $0x0  }
0xaa: {  	s6 =	sshll.u32 s28, $0x1;
	[dreg:$0x2] =	wrdreg s5  }
0xab: {  	[dreg:$0x3] =	wrdreg s6  }
0xac: {  	[dreg:$0x4] =	wrdreg $0xC0  }
0xad: {  	_ =	task [dreg:s9], $0x5FFFF  }
0xae: {  	[dreg:$0x1] =	wrdreg $0xFFFFFFFF  }
0xaf: {  	[dreg:$0x0] =	wrdreg $0x60  }
0xb0: {  	[dreg:$0x2] =	wrdreg s2  }
0xb1: {  	[dreg:$0x3] =	wrdreg s19  }
0xb2: {  	[dreg:$0x4] =	wrdreg s4  }
0xb3: {  	[dreg:$0x5] =	wrdreg $0x9  }
0xb4: {  	_ =	task.clear_ibuf [dreg:s9], $0x6FFFF;
	_ =	strace $0x90000046  }
0xb5: {  	s29 =	simm.s32 $0x9;
	_ =	strace $0x80000048  }
0xb6: {  	_ =	swait.ge [sflag:s29], $0x1  }
0xb7: {  	[sflag:s29] =	ssyncadd.s32 $0xFFFFFFFF  }
0xb8: {  	_ =	strace $0x90000048  }
0xb9: {  	_ =	sfence  }
0xba: {  	s30 =	sld [smem:$0x0];
	_ =	sdelay $0x2  }
0xbb: {  	s31 =	sshll.u32 s1, $0xD;
	s1 =	sshrl.u32 s1, $0x2  }
0xbc: {  	s3 =	sand.u32 $0x4000, s31;
	s1 =	sadd.s32 s1, s30  }
0xbd: {  	s0 =	sor.u32 s3, s0;
	s1 =	sshll.u32 s1, $0x11  }
0xbe: {  	s0 =	sor.u32 s1, s0  }
0xbf: {  	s0 =	sadd.s32 $0x8F2B, s0  }
0xc0: {  	[sflag:s0] =	ssyncadd.remote.s32 $0x1  }
0xc1: {  	_ =	sfence.sel $0xFFFF  }
0xc2: {  	[dreg:$0x0] =	wrdreg $0xFFFFFFFF;
	(pc) =	sbr.abs _section_cstart, $3  }
0xc3: {  	[dreg:$0x1] =	wrdreg $0xFFFFFFFF  }
0xc4: {  	_ =	task.clear_ibuf [dreg:s9], $0x2FFFF;
	_ =	strace $0x9FFFFFFF  }
0xc5: {  	(tm) =	ssettm $0x7FFFFFFF  }
tec
execute0_lowered:
.L_overlay_start_1:
0x0: {  	(tag) =	ssettag $0x1  }
0x1: {  	s4 =	rddreg [dreg:$0x0]  }
0x2: {  	s1 =	rddreg [dreg:$0x1]  }
0x3: {  	s5 =	rddreg [dreg:$0x2]  }
0x4: {  	s0 =	rddreg [dreg:$0x3];
	s2 =	simm.s32 $0x0  }
0x5: {  	s3 =	srdreg.scid;
	s11 =	simm.s32 $0x1080;
	s12 =	simm.s32 $0x1880  }
0x6: {  	s13 =	simm.s32 $0x2080;
	s14 =	simm.s32 $0x2880;
	s15 =	simm.s32 $0x3080  }
0x7: {  	s16 =	simm.s32 $0x3880;
	s17 =	simm.s32 $0x4080;
	s18 =	simm.s32 $0x4880  }
0x8: {  	s19 =	simm.s32 $0x5080;
	s20 =	simm.s32 $0x5880;
	s21 =	simm.s32 $0x6080  }
0x9: {  	s22 =	simm.s32 $0x6880;
	s23 =	simm.s32 $0x7080;
	s24 =	simm.s32 $0x7880  }
0xa: {  	s25 =	simm.s32 $0x1;
	[smem:$0x7FF] =	sst s2;
	s6 =	sand.u32 $0x1, s3  }
0xb: {  	s3 =	stileid.u32;
	_ =	strace $0x80000047;
	s7 =	ssub.s32 $0x2, s6  }
0xc: {  	s9 =	sshll.u32 s3, $0x6;
	s10 =	sshll.u32 s3, $0x2;
	s30 =	sshll.u32 s6, $0x3  }
0xd: {  	s6 =	sshll.u32 s6, $0xC;
	s31 =	sshll.u32 s3, $0xD;
	s8 =	sshrl.u32 s7, $0x1  }
0xe: {  	s29 =	sor.u32 s10, s9;
	s4 =	sadd.s32 s4, s30;
	s6 =	sadd.s32 s5, s6  }
0xf: {  	v2 =	vlaneseq.u32;
	s5 =	sadd.s32 $0x100, s1;
	s9 =	simm.s32 $0x80;
	s10 =	simm.s32 $0x880  }
0x10: {  	vm0 =	vmmov $0xffff;
	v1 =	vshrl.u32 v2, $0x3;
	s7 =	ssub.s32 s7, s8;
	s8 =	sand.u32 $0xF0, s29;
	s6 =	sadd.s32 s31, s6  }
0x11: {  	v0 =	vand.u32 $0x7, v2;
	v2 =	vor.u32 $0x8, v2;
	v1 =	vmul.u32 $0x8, v1;
	s4 =	sadd.s32 s8, s4;
	s7 =	smax.u32 s7, $0x1;
	s8 =	simm.s32 $0x2  }
.LBB2_1:
0x12: {  	[tilespmem:s2], [sflag:$0x2] =	stream.linear.gather [hbm4b:s4+s2], $0x40, $0x38;
	[tilespmem:$0x8080] =	vst v63  }
0x13: {  	_ =	swait.ge [sflag:s8], $0x40  }
0x14: {  	[sflag:s8] =	ssyncset.done $0x0  }
0x15: {  	[sflag:s8] =	ssyncadd.s32 $0xFFFFFFC0  }
0x16: {  	v3 =	vld [tilespmem:$0x0];
	_ =	sdelay $0x4  }
0x17: {  	v4 =	vshll.u32 v3, $0x2  }
0x18: {  	v3 =	vand.u32 $0x7, v3;
	v4 =	vand.u32 $0xFFFFFFE0, v4  }
0x19: {  	v3 =	vor.u32 v3, v4  }
0x1a: {  	v4 =	vperm.xlane v3, v0;
	_ =	sdelay $0x1  }
0x1b: {  	v4 =	vadd.s32 v1, v4;
	_ =	sdelay $0x1  }
0x1c: {  	v3 =	vperm.xlane v3, v2;
	_ =	sdelay $0x1  }
0x1d: {  	v3 =	vadd.s32 v1, v3  }
0x1e: {  	[tilespmem:s9], [sflag:$0x1] =	stream.indirect_vreg.gather [hbm4b:s1+s2], $0x80, v4, vm0, $0xb8;
	[tilespmem:$0x8080] =	vst v63  }
0x1f: {  	_ = 	snop  }
0x20: {  	[tilespmem:s10], [sflag:$0x1] =	stream.indirect_vreg.gather [hbm4b:s5+s2], $0x80, v4, vm0, $0xb8;
	[tilespmem:$0x8080] =	vst v63  }
0x21: {  	_ = 	snop  }
0x22: {  	[tilespmem:s11], [sflag:$0x1] =	stream.indirect_vreg.gather [hbm4b:s1+s2], $0x80, v3, vm0, $0xb8;
	[tilespmem:$0x8080] =	vst v63  }
0x23: {  	_ = 	snop  }
0x24: {  	[tilespmem:s12], [sflag:$0x1] =	stream.indirect_vreg.gather [hbm4b:s5+s2], $0x80, v3, vm0, $0xb8;
	[tilespmem:$0x8080] =	vst v63  }
0x25: {  	v3 =	vld [tilespmem:$0x10];
	_ =	sdelay $0x4  }
0x26: {  	v61 =	vshll.u32 v3, $0x2  }
0x27: {  	v3 =	vand.u32 $0x7, v3;
	v4 =	vand.u32 $0xFFFFFFE0, v61  }
0x28: {  	v3 =	vor.u32 v3, v4  }
0x29: {  	v4 =	vperm.xlane v3, v0;
	_ =	sdelay $0x1  }
0x2a: {  	v4 =	vadd.s32 v1, v4;
	_ =	sdelay $0x1  }
0x2b: {  	v3 =	vperm.xlane v3, v2;
	_ =	sdelay $0x1  }
0x2c: {  	v3 =	vadd.s32 v1, v3  }
0x2d: {  	[tilespmem:s13], [sflag:$0x1] =	stream.indirect_vreg.gather [hbm4b:s1+s2], $0x80, v4, vm0, $0xb8;
	[tilespmem:$0x8080] =	vst v63  }
0x2e: {  	_ = 	snop  }
0x2f: {  	[tilespmem:s14], [sflag:$0x1] =	stream.indirect_vreg.gather [hbm4b:s5+s2], $0x80, v4, vm0, $0xb8;
	[tilespmem:$0x8080] =	vst v63  }
0x30: {  	_ = 	snop  }
0x31: {  	[tilespmem:s15], [sflag:$0x1] =	stream.indirect_vreg.gather [hbm4b:s1+s2], $0x80, v3, vm0, $0xb8;
	[tilespmem:$0x8080] =	vst v63  }
0x32: {  	_ = 	snop  }
0x33: {  	[tilespmem:s16], [sflag:$0x1] =	stream.indirect_vreg.gather [hbm4b:s5+s2], $0x80, v3, vm0, $0xb8;
	[tilespmem:$0x8080] =	vst v63  }
0x34: {  	v3 =	vld [tilespmem:$0x20];
	_ =	sdelay $0x4  }
0x35: {  	v62 =	vshll.u32 v3, $0x2  }
0x36: {  	v3 =	vand.u32 $0x7, v3;
	v4 =	vand.u32 $0xFFFFFFE0, v62  }
0x37: {  	v3 =	vor.u32 v3, v4  }
0x38: {  	v4 =	vperm.xlane v3, v0;
	_ =	sdelay $0x1  }
0x39: {  	v4 =	vadd.s32 v1, v4;
	_ =	sdelay $0x1  }
0x3a: {  	v3 =	vperm.xlane v3, v2;
	_ =	sdelay $0x1  }
0x3b: {  	v3 =	vadd.s32 v1, v3  }
0x3c: {  	[tilespmem:s17], [sflag:$0x1] =	stream.indirect_vreg.gather [hbm4b:s1+s2], $0x80, v4, vm0, $0xb8;
	[tilespmem:$0x8080] =	vst v63  }
0x3d: {  	_ = 	snop  }
0x3e: {  	[tilespmem:s18], [sflag:$0x1] =	stream.indirect_vreg.gather [hbm4b:s5+s2], $0x80, v4, vm0, $0xb8;
	[tilespmem:$0x8080] =	vst v63  }
0x3f: {  	_ = 	snop  }
0x40: {  	[tilespmem:s19], [sflag:$0x1] =	stream.indirect_vreg.gather [hbm4b:s1+s2], $0x80, v3, vm0, $0xb8;
	[tilespmem:$0x8080] =	vst v63  }
0x41: {  	_ = 	snop  }
0x42: {  	[tilespmem:s20], [sflag:$0x1] =	stream.indirect_vreg.gather [hbm4b:s5+s2], $0x80, v3, vm0, $0xb8;
	[tilespmem:$0x8080] =	vst v63  }
0x43: {  	v3 =	vld [tilespmem:$0x30];
	_ =	sdelay $0x4  }
0x44: {  	v63 =	vshll.u32 v3, $0x2  }
0x45: {  	v3 =	vand.u32 $0x7, v3;
	v4 =	vand.u32 $0xFFFFFFE0, v63  }
0x46: {  	v3 =	vor.u32 v3, v4  }
0x47: {  	v4 =	vperm.xlane v3, v0;
	_ =	sdelay $0x1  }
0x48: {  	v4 =	vadd.s32 v1, v4;
	_ =	sdelay $0x1  }
0x49: {  	v3 =	vperm.xlane v3, v2;
	_ =	sdelay $0x1  }
0x4a: {  	v3 =	vadd.s32 v1, v3  }
0x4b: {  	[tilespmem:s21], [sflag:$0x1] =	stream.indirect_vreg.gather [hbm4b:s1+s2], $0x80, v4, vm0, $0xb8;
	[tilespmem:$0x8080] =	vst v63  }
0x4c: {  	_ = 	snop  }
0x4d: {  	[tilespmem:s22], [sflag:$0x1] =	stream.indirect_vreg.gather [hbm4b:s5+s2], $0x80, v4, vm0, $0xb8;
	[tilespmem:$0x8080] =	vst v63  }
0x4e: {  	_ = 	snop  }
0x4f: {  	[tilespmem:s23], [sflag:$0x1] =	stream.indirect_vreg.gather [hbm4b:s1+s2], $0x80, v3, vm0, $0xb8;
	[tilespmem:$0x8080] =	vst v63  }
0x50: {  	_ = 	snop  }
0x51: {  	[tilespmem:s24], [sflag:$0x1] =	stream.indirect_vreg.gather [hbm4b:s5+s2], $0x80, v3, vm0, $0xb8;
	[tilespmem:$0x8080] =	vst v63  }
0x52: {  	_ =	swait.ge [sflag:s25], $0x8000  }
0x53: {  	p0 =	sne.s32 s7, $0x1;
	[sflag:s25] =	ssyncset.done $0x0  }
.Ltmp0:
0x54: {  	[sflag:s25] =	ssyncadd.s32 $0xFFFF8000;
	(pc) =	sbr.rel @p0 .LBB2_1-.Ltmp0, $4  }
0x55: {  	[hbm4b:s6+s2] =	stream.linear.scatter [tilespmem:s9], [sflag:$0x2], $0x8000, $0x38;
	[tilespmem:$0x8080] =	vst v63  }
0x56: {  	_ =	swait.ge [sflag:s8], $0x8000  }
0x57: {  	[sflag:s8] =	ssyncset.done $0x0  }
0x58: {  	s7 =	sadd.s32 $0xFFFFFFFF, s7;
	[sflag:s8] =	ssyncadd.s32 $0xFFFF8000  }
0x59: {  	_ =	sfence.sel $0x180000  }
0x5a: {  	[bflag:$0x0] =	sbarrier.arrive $0xFFFF  }
0x5b: {  	p0 =	sne.s32 s3, $0x0;
	_ =	strace $0x90000047  }
0x5c: {  	s0 =	sadd.s32 @!p0 $0x100000, s0;
	[bflag:$0x2] =	sbarrier.arrive $0xFFFF  }
0x5d: {  	[sflag:s0] =	ssyncadd.tile.s32 @!p0 $0x1;
	_ =	shalt  }
.Lfunc_end2:
_tile_overlayer_lowered:
.L_overlay_start_2:
0x5e: {  	(tag) =	ssettag $0x2  }
0x5f: {  	s0 =	rddreg [dreg:$0x0];
	s2 =	stileid.u32  }
0x60: {  	s1 =	rddreg [dreg:$0x1];
	p0 =	sne.s32 s2, $0x0  }
0x61: {  	s3 =	rddreg [dreg:$0x2];
	[bflag:$0x3] =	sbarrier.arrive $0xFFFF;
	s2 =	simm.s32 @!p0 $0x1C02  }
0x62: {  	[timem:s3], [sflag:s2] =	dma.local @!p0 [hbm:s0], s1  }
0x63: {  	s0 =	simm.s32 @!p0 $0x2  }
0x64: {  	_ =	swait.ge @!p0 [sflag:s0], s1  }
0x65: {  	s1 =	ssub.s32 @!p0 $0x0, s1;
	[sflag:s0] =	ssyncset.done @!p0 $0x0  }
0x66: {  	[sflag:s0] =	ssyncadd.s32 @!p0 s1  }
0x67: {  	[bflag:$0x3] =	sbarrier.arrive $0xFFFF  }
0x68: {  	_ =	shalt  }

// kernel: kernel.13.cloned.1.call-start
scs
__scs_entry_jumppad:
0x0: {  	(pc) =	sbr.rel $0x88, $3  }
0x1: {  	(tag) =	ssettag $0x0;
	lr =	simm.s32 $0x1  }
0x2: {  	[smem:$0x3F9B] =	sst lr;
	_ =	strace $0xD0000000  }
0x3: {  	_ = 	snop  }
0x4: {  	_ = 	snop  }
0x5: {  	_ = 	snop  }
0x6: {  	_ = 	snop  }
0x7: {  	_ = 	snop  }
__scs_overlays_trampoline_lowered:
0x8: {  	[smem:$0x3FAA] =	sst s0  }
0x9: {  	[smem:$0x3FAB] =	sst s1  }
0xa: {  	[smem:$0x3FAC] =	sst s2  }
0xb: {  	[smem:$0x3FAD] =	sst s3  }
0xc: {  	[smem:$0x3FAE] =	sst s4  }
0xd: {  	[smem:$0x3FAF] =	sst s5  }
0xe: {  	[smem:$0x3FB0] =	sst s6  }
0xf: {  	[smem:$0x3FB1] =	sst s7  }
0x10: {  	[smem:$0x3FB2] =	sst s8  }
0x11: {  	[smem:$0x3FB3] =	sst s9;
	s0 =	simm.s32 @!p0 $0x0  }
0x12: {  	s1 =	sld [smem:$0x3F99];
	s0 =	simm.s32 @p0 $0x1  }
0x13: {  	[smem:$0x3FB4] =	sst s0;
	s0 =	simm.s32 @!p1 $0x0  }
0x14: {  	s2 =	sld [smem:$0x3F98];
	s0 =	simm.s32 @p1 $0x1  }
0x15: {  	[smem:$0x3FB5] =	sst s0;
	s0 =	simm.s32 @!p2 $0x0  }
0x16: {  	s3 =	sld [smem:$0x3FDB];
	s0 =	simm.s32 @p2 $0x1  }
0x17: {  	s4 =	simm.s32 $0x1BF5;
	[smem:$0x3FB7] =	sst s0  }
0x18: {  	s0 =	sld [smem:$0x3F9A];
	_ =	swait.ge [sflag:s4], $0x0  }
0x19: {  	s7 =	sld [smem:$0x3F9B]  }
0x1a: {  	s8 =	sadd.s32 $0xFFFFE003, lr  }
0x1b: {  	s9 =	sadd.s32 $0xFFFFFEF7, lr;
	s5 =	simm.s32 $0xFFFFFFFF;
	p2 =	slt.u32 s8, $0xFFFFF086  }
0x1c: {  	p1 =	slt.u32 s9, $0xF7A;
	s5 =	simm.s32 @!p2 $0x0  }
0x1d: {  	s5 =	simm.s32 @p1 $0x1;
	p0 =	seq.s32 s7, s2  }
0x1e: {  	s7 =	smul.u32 @!p0 $0xF7A, s2;
	p2 =	seq.s32 @!p0 s5, $0x0  }
0x1f: {  	s9 =	smul.u32 $0xF7A, s1;
	s8 =	simm.s32 @!p0 $0x1BF5;
	p2 =	por !p2, p0  }
0x20: {  	[sflag:s8] =	ssyncset.s32 @!p0 $0xFFFFF086;
	s6 =	sadd.s32 @!p0 s3, s7;
	s7 =	simm.s32 @!p0 $0x108  }
0x21: {  	s3 =	sadd.s32 s3, s9;
	s6 =	sadd.s32 @!p0 $0x88, s6;
	s7 =	simm.s32 @p2 $0x1082  }
0x22: {  	[simem:s7], [sflag:s8] =	dma.local @!p0 [hbm:s6], $0xF7A  }
0x23: {  	s9 =	sor.u32 $0xD0000000, s2;
	s6 =	simm.s32 $0x108;
	_ =	swait.ge @!p0 [sflag:s8], $0x0  }
0x24: {  	s3 =	sadd.s32 $0x88, s3;
	s6 =	simm.s32 @!p1 $0x1082;
	[sflag:s4] =	ssyncset.s32 $0xFFFFF086  }
0x25: {  	[simem:s6], [sflag:s4] =	dma.local [hbm:s3], $0xF7A  }
0x26: {  	[smem:$0x3F9B] =	sst s1;
	(tag) =	ssettag s2;
	_ =	strace s9  }
0x27: {  	s1 =	sld [smem:$0x3FAB]  }
0x28: {  	s2 =	sld [smem:$0x3FAC]  }
0x29: {  	s4 =	sld [smem:$0x3FAE]  }
0x2a: {  	p0 =	seq.s32 s5, $0x0;
	s5 =	sld [smem:$0x3FAF]  }
0x2b: {  	s6 =	sld [smem:$0x3FB0]  }
0x2c: {  	s7 =	sld [smem:$0x3FB1]  }
0x2d: {  	s3 =	simm.s32 $0x108;
	s8 =	sld [smem:$0x3FB2]  }
0x2e: {  	s3 =	simm.s32 @!p0 $0x1082;
	s9 =	sld [smem:$0x3FB3]  }
0x2f: {  	lr =	sadd.s32 s0, s3;
	s0 =	sld [smem:$0x3FAA]  }
0x30: {  	s3 =	sld [smem:$0x3FAD]  }
0x31: {  	[smem:$0x3FB6] =	sst s10  }
0x32: {  	s10 =	sld [smem:$0x3FB4];
	_ =	sdelay $0x3  }
0x33: {  	p0 =	seq.s32 s10, $0x1;
	s10 =	sld [smem:$0x3FB6];
	_ =	sdelay $0x3  }
0x34: {  	[smem:$0x3FB6] =	sst s10  }
0x35: {  	s10 =	sld [smem:$0x3FB5];
	_ =	sdelay $0x3  }
0x36: {  	p1 =	seq.s32 s10, $0x1;
	s10 =	sld [smem:$0x3FB6];
	_ =	sdelay $0x3  }
0x37: {  	[smem:$0x3FB6] =	sst s10  }
0x38: {  	s10 =	sld [smem:$0x3FB7]  }
0x39: {  	_ = 	snop;
	(pc) =	sbr.ind lr, $3  }
0x3a: {  	_ = 	snop  }
0x3b: {  	_ = 	snop  }
0x3c: {  	p2 =	seq.s32 s10, $0x1;
	s10 =	sld [smem:$0x3FB6]  }
0x3d: {  	_ =	shalt  }
0x3e: {  	_ =	shalt  }
0x3f: {  	_ =	shalt  }
0x40: {  	_ =	shalt  }
0x41: {  	_ =	shalt  }
0x42: {  	_ =	shalt  }
0x43: {  	_ =	shalt  }
0x44: {  	_ =	shalt  }
0x45: {  	_ =	shalt  }
0x46: {  	_ =	shalt  }
0x47: {  	_ =	shalt  }
0x48: {  	_ =	shalt  }
0x49: {  	_ =	shalt  }
0x4a: {  	_ =	shalt  }
0x4b: {  	_ =	shalt  }
0x4c: {  	_ =	shalt  }
0x4d: {  	_ =	shalt  }
0x4e: {  	_ =	shalt  }
0x4f: {  	_ =	shalt  }
0x50: {  	_ =	shalt  }
0x51: {  	_ =	shalt  }
0x52: {  	_ =	shalt  }
0x53: {  	_ =	shalt  }
0x54: {  	_ =	shalt  }
0x55: {  	_ =	shalt  }
0x56: {  	_ =	shalt  }
0x57: {  	_ =	shalt  }
0x58: {  	_ =	shalt  }
0x59: {  	_ =	shalt  }
0x5a: {  	_ =	shalt  }
0x5b: {  	_ =	shalt  }
0x5c: {  	_ =	shalt  }
0x5d: {  	_ =	shalt  }
0x5e: {  	_ =	shalt  }
0x5f: {  	_ =	shalt  }
0x60: {  	_ =	shalt  }
0x61: {  	_ =	shalt  }
0x62: {  	_ =	shalt  }
0x63: {  	_ =	shalt  }
0x64: {  	_ =	shalt  }
0x65: {  	_ =	shalt  }
0x66: {  	_ =	shalt  }
0x67: {  	_ =	shalt  }
0x68: {  	_ =	shalt  }
0x69: {  	_ =	shalt  }
0x6a: {  	_ =	shalt  }
0x6b: {  	_ =	shalt  }
0x6c: {  	_ =	shalt  }
0x6d: {  	_ =	shalt  }
0x6e: {  	_ =	shalt  }
0x6f: {  	_ =	shalt  }
0x70: {  	_ =	shalt  }
0x71: {  	_ =	shalt  }
0x72: {  	_ =	shalt  }
0x73: {  	_ =	shalt  }
0x74: {  	_ =	shalt  }
0x75: {  	_ =	shalt  }
0x76: {  	_ =	shalt  }
0x77: {  	_ =	shalt  }
0x78: {  	_ =	shalt  }
0x79: {  	_ =	shalt  }
0x7a: {  	_ =	shalt  }
0x7b: {  	_ =	shalt  }
0x7c: {  	_ =	shalt  }
0x7d: {  	_ =	shalt  }
0x7e: {  	_ =	shalt  }
0x7f: {  	_ =	shalt  }
0x80: {  	_ =	shalt  }
0x81: {  	_ =	shalt  }
0x82: {  	_ =	shalt  }
0x83: {  	_ =	shalt  }
0x84: {  	_ =	shalt  }
0x85: {  	_ =	shalt  }
0x86: {  	_ =	shalt  }
0x87: {  	_ =	shalt  }
.Lfunc_end0:
.L_simem_size_0:
called_computation.1_lowered:
.L_overlay_start_0:
0x88: {  	s2 =	sld [smem:$0x3FD9]  }
0x89: {  	s3 =	sld [smem:$0x3FFE];
	_ =	sdelay $0x1  }
0x8a: {  	s1 =	srdreg.scid  }
0x8b: {  	s0 =	sand.u32 $0x1, s1  }
0x8c: {  	s17 =	sshll.u32 s0, $0xA;
	s2 =	sadd.s32 s3, s2  }
0x8d: {  	s2 =	sadd.s32 s2, s17  }
0x8e: {  	[smem:$0x3FC2] =	sst s2  }
0x8f: {  	_ = 	snop  }
0x90: {  	s18 =	sld [smem:$0x3FC9]  }
0x91: {  	s4 =	sld [smem:$0x3FC8];
	(tm) =	ssettm $0x1  }
0x92: {  	s19 =	sld [smem:$0x3FFB];
	_ =	sdelay $0x3  }
0x93: {  	_ =	strace s19  }
0x94: {  	s2 =	sld [smem:$0x3FFC];
	_ =	sdelay $0x3  }
0x95: {  	_ =	strace s2  }
0x96: {  	s2 =	sld [smem:$0x3FFD];
	_ =	sdelay $0x3  }
0x97: {  	_ =	strace s2  }
0x98: {  	_ =	strace $0x8FFFFFFF  }
0x99: {  	s20 =	sld [smem:$0x3FDB];
	_ =	sdelay $0x1  }
0x9a: {  	s5 =	simm.s32 $_scs_section_size  }
0x9b: {  	s6 =	simm.s32 $_size__tile_overlayer_lowered;
	s7 =	simm.s32 $_tile_overlayer_lowered  }
0x9c: {  	s8 =	simm.s32 $0x1BFF;
	s21 =	sshll.u32 s7, $0x1;
	s5 =	sadd.s32 s5, s20  }
0x9d: {  	s22 =	simm.s32 $0x0;
	s6 =	sshll.u32 s6, $0x1;
	s7 =	sadd.s32 s21, s5  }
0x9e: {  	[timem:s22], [sflag:s8] =	dma.local [hbm:s7], s6  }
0x9f: {  	_ =	swait.ge [sflag:s8], s6  }
0xa0: {  	s6 =	ssub.s32 $0x0, s6;
	[sflag:s8] =	ssyncset.done $0x0  }
0xa1: {  	[sflag:s8] =	ssyncadd.s32 s6;
	_ =	sdelay $0x1  }
0xa2: {  	s23 =	simm.s32 $0x1B8B  }
0xa3: {  	_ =	swait.ge [sflag:s23], $0x1  }
0xa4: {  	[sflag:s23] =	ssyncset.done $0x0  }
0xa5: {  	[sflag:s23] =	ssyncadd.s32 $0xFFFFFFFF  }
0xa6: {  	s6 =	sld [smem:$0x0]  }
0xa7: {  	s7 =	sand.u32 $0xFFFFFFFE, s1  }
0xa8: {  	p0 =	sne.s32 s1, s7  }
0xa9: {  	s7 =	sshll.u32 @p0 s7, $0xE  }
0xaa: {  	s7 =	sadd.s32 @p0 $0x11B8D, s7;
	s8 =	sshll.u32 @p0 s6, $0x11  }
0xab: {  	s7 =	sor.u32 @p0 s8, s7  }
0xac: {  	[sflag:s7] =	ssyncadd.remote.s32 @p0 $0x1;
	_ =	sdelay $0x1  }
0xad: {  	s7 =	simm.s32 @p0 $0x1B8D  }
0xae: {  	_ =	swait.eq @p0 [sflag:s7], $0x1  }
0xaf: {  	[sflag:s7] =	ssyncadd.s32 @p0 $0xFFFFFFFF  }
0xb0: {  	s8 =	sshll.u32 @!p0 s1, $0xE  }
0xb1: {  	s8 =	sor.u32 @!p0 $0x4000, s8;
	s7 =	simm.s32 @!p0 $0x1B8D  }
0xb2: {  	s6 =	sshll.u32 @!p0 s6, $0x11;
	s8 =	sadd.s32 @!p0 $0x11B8D, s8;
	_ =	swait.eq @!p0 [sflag:s7], $0x1  }
0xb3: {  	s6 =	sor.u32 @!p0 s6, s8;
	[sflag:s7] =	ssyncadd.s32 @!p0 $0xFFFFFFFF  }
0xb4: {  	s25 =	simm.s32 $0x1B8E;
	s24 =	sld [smem:$0x3FFE];
	[sflag:s6] =	ssyncadd.remote.s32 @!p0 $0x1  }
0xb5: {  	s26 =	simm.s32 $execute0_lowered;
	[smem:$0x3FD2] =	sst s25  }
0xb6: {  	s7 =	sshll.u32 s26, $0x1;
	_ =	strace $0x80000049;
	[dreg:$0x1] =	wrdreg $0xFFFFFFFF  }
0xb7: {  	s28 =	simm.s32 $_size_execute0_lowered;
	s5 =	sadd.s32 s5, s7;
	[dreg:$0x0] =	wrdreg $0x0  }
0xb8: {  	s7 =	sshll.u32 s28, $0x1;
	[dreg:$0x2] =	wrdreg s5  }
0xb9: {  	[dreg:$0x3] =	wrdreg s7  }
0xba: {  	[dreg:$0x4] =	wrdreg $0xC0  }
0xbb: {  	_ =	task [dreg:s22], $0x5FFFF  }
0xbc: {  	[dreg:$0x1] =	wrdreg $0xFFFFFFFF  }
0xbd: {  	[dreg:$0x0] =	wrdreg $0x60  }
0xbe: {  	[dreg:$0x2] =	wrdreg s18  }
0xbf: {  	[dreg:$0x3] =	wrdreg s4  }
0xc0: {  	[dreg:$0x4] =	wrdreg s24  }
0xc1: {  	[dreg:$0x5] =	wrdreg $0xA  }
0xc2: {  	_ =	task.clear_ibuf [dreg:s22], $0x6FFFF;
	_ =	strace $0x90000049  }
0xc3: {  	s29 =	simm.s32 $0xA;
	_ =	strace $0x8000004B  }
0xc4: {  	_ =	swait.ge [sflag:s29], $0x1  }
0xc5: {  	[sflag:s29] =	ssyncadd.s32 $0xFFFFFFFF  }
0xc6: {  	_ =	strace $0x9000004B  }
0xc7: {  	_ =	sfence  }
0xc8: {  	s30 =	sld [smem:$0x0];
	_ =	sdelay $0x2  }
0xc9: {  	s31 =	sshll.u32 s1, $0xD;
	s1 =	sshrl.u32 s1, $0x2  }
0xca: {  	s4 =	sand.u32 $0x4000, s31;
	s1 =	sadd.s32 s1, s30  }
0xcb: {  	s0 =	sor.u32 s4, s0;
	s1 =	sshll.u32 s1, $0x11  }
0xcc: {  	s0 =	sor.u32 s1, s0  }
0xcd: {  	s0 =	sadd.s32 $0x8F2B, s0  }
0xce: {  	[sflag:s0] =	ssyncadd.remote.s32 $0x1  }
0xcf: {  	_ =	sfence.sel $0xFFFF  }
0xd0: {  	[dreg:$0x0] =	wrdreg $0xFFFFFFFF;
	(pc) =	sbr.abs _section_cstart, $3  }
0xd1: {  	[dreg:$0x1] =	wrdreg $0xFFFFFFFF  }
0xd2: {  	_ =	task.clear_ibuf [dreg:s22], $0x2FFFF;
	_ =	strace $0x9FFFFFFF  }
0xd3: {  	(tm) =	ssettm $0x7FFFFFFF  }
tec
execute0_lowered:
.L_overlay_start_1:
0x0: {  	(tag) =	ssettag $0x1  }
0x1: {  	s4 =	rddreg [dreg:$0x0]  }
0x2: {  	s1 =	rddreg [dreg:$0x1]  }
0x3: {  	s5 =	rddreg [dreg:$0x2]  }
0x4: {  	s0 =	rddreg [dreg:$0x3]  }
0x5: {  	s2 =	simm.s32 $0x0;
	s3 =	srdreg.scid;
	s10 =	simm.s32 $0x880  }
0x6: {  	s11 =	simm.s32 $0x1080;
	s12 =	simm.s32 $0x1880;
	s13 =	simm.s32 $0x2080  }
0x7: {  	s14 =	simm.s32 $0x2880;
	s15 =	simm.s32 $0x3080;
	s16 =	simm.s32 $0x3880  }
0x8: {  	s17 =	simm.s32 $0x4080;
	s18 =	simm.s32 $0x4880;
	s19 =	simm.s32 $0x5080  }
0x9: {  	s20 =	simm.s32 $0x5880;
	s21 =	simm.s32 $0x6080;
	s22 =	simm.s32 $0x6880  }
0xa: {  	s23 =	simm.s32 $0x7080;
	s24 =	simm.s32 $0x7880;
	s25 =	simm.s32 $0x1  }
0xb: {  	[smem:$0x7FF] =	sst s2;
	s6 =	sand.u32 $0x1, s3;
	s3 =	stileid.u32  }
0xc: {  	_ =	strace $0x8000004A;
	s7 =	sshll.u32 s6, $0xC;
	s8 =	sshll.u32 s3, $0x6  }
0xd: {  	s9 =	sshll.u32 s3, $0x2;
	s28 =	sshll.u32 s6, $0x3;
	s6 =	ssub.s32 $0x2, s6  }
0xe: {  	s30 =	sshll.u32 s3, $0xD;
	s5 =	sadd.s32 s7, s5;
	s26 =	sor.u32 s9, s8  }
0xf: {  	s4 =	sadd.s32 s28, s4;
	s29 =	sshrl.u32 s6, $0x1;
	s9 =	simm.s32 $0x80  }
0x10: {  	v2 =	vlaneseq.u32;
	s7 =	sand.u32 $0xF0, s26;
	s8 =	ssub.s32 s6, s29;
	s31 =	sadd.s32 s30, s5  }
0x11: {  	vm0 =	vmmov $0xffff;
	v1 =	vshrl.u32 v2, $0x3;
	s5 =	sadd.s32 $0x100, s1;
	s4 =	sadd.s32 s7, s4;
	s6 =	sadd.s32 $0x2000, s31  }
0x12: {  	v0 =	vand.u32 $0x7, v2;
	v2 =	vor.u32 $0x8, v2;
	v1 =	vmul.u32 $0x8, v1;
	s7 =	smax.u32 s8, $0x1;
	s8 =	simm.s32 $0x2;
	s4 =	sadd.s32 $0x100, s4  }
.LBB2_1:
0x13: {  	[tilespmem:s2], [sflag:$0x2] =	stream.linear.gather [hbm4b:s4+s2], $0x40, $0x38;
	[tilespmem:$0x8080] =	vst v63  }
0x14: {  	_ =	swait.ge [sflag:s8], $0x40  }
0x15: {  	[sflag:s8] =	ssyncset.done $0x0  }
0x16: {  	[sflag:s8] =	ssyncadd.s32 $0xFFFFFFC0  }
0x17: {  	v3 =	vld [tilespmem:$0x0];
	_ =	sdelay $0x4  }
0x18: {  	v4 =	vshll.u32 v3, $0x2  }
0x19: {  	v3 =	vand.u32 $0x7, v3;
	v4 =	vand.u32 $0xFFFFFFE0, v4  }
0x1a: {  	v3 =	vor.u32 v3, v4  }
0x1b: {  	v4 =	vperm.xlane v3, v0;
	_ =	sdelay $0x1  }
0x1c: {  	v4 =	vadd.s32 v1, v4;
	_ =	sdelay $0x1  }
0x1d: {  	v3 =	vperm.xlane v3, v2;
	_ =	sdelay $0x1  }
0x1e: {  	v3 =	vadd.s32 v1, v3  }
0x1f: {  	[tilespmem:s9], [sflag:$0x1] =	stream.indirect_vreg.gather [hbm4b:s1+s2], $0x80, v4, vm0, $0xb8;
	[tilespmem:$0x8080] =	vst v63  }
0x20: {  	_ = 	snop  }
0x21: {  	[tilespmem:s10], [sflag:$0x1] =	stream.indirect_vreg.gather [hbm4b:s5+s2], $0x80, v4, vm0, $0xb8;
	[tilespmem:$0x8080] =	vst v63  }
0x22: {  	_ = 	snop  }
0x23: {  	[tilespmem:s11], [sflag:$0x1] =	stream.indirect_vreg.gather [hbm4b:s1+s2], $0x80, v3, vm0, $0xb8;
	[tilespmem:$0x8080] =	vst v63  }
0x24: {  	_ = 	snop  }
0x25: {  	[tilespmem:s12], [sflag:$0x1] =	stream.indirect_vreg.gather [hbm4b:s5+s2], $0x80, v3, vm0, $0xb8;
	[tilespmem:$0x8080] =	vst v63  }
0x26: {  	v3 =	vld [tilespmem:$0x10];
	_ =	sdelay $0x4  }
0x27: {  	v61 =	vshll.u32 v3, $0x2  }
0x28: {  	v3 =	vand.u32 $0x7, v3;
	v4 =	vand.u32 $0xFFFFFFE0, v61  }
0x29: {  	v3 =	vor.u32 v3, v4  }
0x2a: {  	v4 =	vperm.xlane v3, v0;
	_ =	sdelay $0x1  }
0x2b: {  	v4 =	vadd.s32 v1, v4;
	_ =	sdelay $0x1  }
0x2c: {  	v3 =	vperm.xlane v3, v2;
	_ =	sdelay $0x1  }
0x2d: {  	v3 =	vadd.s32 v1, v3  }
0x2e: {  	[tilespmem:s13], [sflag:$0x1] =	stream.indirect_vreg.gather [hbm4b:s1+s2], $0x80, v4, vm0, $0xb8;
	[tilespmem:$0x8080] =	vst v63  }
0x2f: {  	_ = 	snop  }
0x30: {  	[tilespmem:s14], [sflag:$0x1] =	stream.indirect_vreg.gather [hbm4b:s5+s2], $0x80, v4, vm0, $0xb8;
	[tilespmem:$0x8080] =	vst v63  }
0x31: {  	_ = 	snop  }
0x32: {  	[tilespmem:s15], [sflag:$0x1] =	stream.indirect_vreg.gather [hbm4b:s1+s2], $0x80, v3, vm0, $0xb8;
	[tilespmem:$0x8080] =	vst v63  }
0x33: {  	_ = 	snop  }
0x34: {  	[tilespmem:s16], [sflag:$0x1] =	stream.indirect_vreg.gather [hbm4b:s5+s2], $0x80, v3, vm0, $0xb8;
	[tilespmem:$0x8080] =	vst v63  }
0x35: {  	v3 =	vld [tilespmem:$0x20];
	_ =	sdelay $0x4  }
0x36: {  	v62 =	vshll.u32 v3, $0x2  }
0x37: {  	v3 =	vand.u32 $0x7, v3;
	v4 =	vand.u32 $0xFFFFFFE0, v62  }
0x38: {  	v3 =	vor.u32 v3, v4  }
0x39: {  	v4 =	vperm.xlane v3, v0;
	_ =	sdelay $0x1  }
0x3a: {  	v4 =	vadd.s32 v1, v4;
	_ =	sdelay $0x1  }
0x3b: {  	v3 =	vperm.xlane v3, v2;
	_ =	sdelay $0x1  }
0x3c: {  	v3 =	vadd.s32 v1, v3  }
0x3d: {  	[tilespmem:s17], [sflag:$0x1] =	stream.indirect_vreg.gather [hbm4b:s1+s2], $0x80, v4, vm0, $0xb8;
	[tilespmem:$0x8080] =	vst v63  }
0x3e: {  	_ = 	snop  }
0x3f: {  	[tilespmem:s18], [sflag:$0x1] =	stream.indirect_vreg.gather [hbm4b:s5+s2], $0x80, v4, vm0, $0xb8;
	[tilespmem:$0x8080] =	vst v63  }
0x40: {  	_ = 	snop  }
0x41: {  	[tilespmem:s19], [sflag:$0x1] =	stream.indirect_vreg.gather [hbm4b:s1+s2], $0x80, v3, vm0, $0xb8;
	[tilespmem:$0x8080] =	vst v63  }
0x42: {  	_ = 	snop  }
0x43: {  	[tilespmem:s20], [sflag:$0x1] =	stream.indirect_vreg.gather [hbm4b:s5+s2], $0x80, v3, vm0, $0xb8;
	[tilespmem:$0x8080] =	vst v63  }
0x44: {  	v3 =	vld [tilespmem:$0x30];
	_ =	sdelay $0x4  }
0x45: {  	v63 =	vshll.u32 v3, $0x2  }
0x46: {  	v3 =	vand.u32 $0x7, v3;
	v4 =	vand.u32 $0xFFFFFFE0, v63  }
0x47: {  	v3 =	vor.u32 v3, v4  }
0x48: {  	v4 =	vperm.xlane v3, v0;
	_ =	sdelay $0x1  }
0x49: {  	v4 =	vadd.s32 v1, v4;
	_ =	sdelay $0x1  }
0x4a: {  	v3 =	vperm.xlane v3, v2;
	_ =	sdelay $0x1  }
0x4b: {  	v3 =	vadd.s32 v1, v3  }
0x4c: {  	[tilespmem:s21], [sflag:$0x1] =	stream.indirect_vreg.gather [hbm4b:s1+s2], $0x80, v4, vm0, $0xb8;
	[tilespmem:$0x8080] =	vst v63  }
0x4d: {  	_ = 	snop  }
0x4e: {  	[tilespmem:s22], [sflag:$0x1] =	stream.indirect_vreg.gather [hbm4b:s5+s2], $0x80, v4, vm0, $0xb8;
	[tilespmem:$0x8080] =	vst v63  }
0x4f: {  	_ = 	snop  }
0x50: {  	[tilespmem:s23], [sflag:$0x1] =	stream.indirect_vreg.gather [hbm4b:s1+s2], $0x80, v3, vm0, $0xb8;
	[tilespmem:$0x8080] =	vst v63  }
0x51: {  	_ = 	snop  }
0x52: {  	[tilespmem:s24], [sflag:$0x1] =	stream.indirect_vreg.gather [hbm4b:s5+s2], $0x80, v3, vm0, $0xb8;
	[tilespmem:$0x8080] =	vst v63  }
0x53: {  	_ =	swait.ge [sflag:s25], $0x8000  }
0x54: {  	p0 =	sne.s32 s7, $0x1;
	[sflag:s25] =	ssyncset.done $0x0  }
.Ltmp0:
0x55: {  	[sflag:s25] =	ssyncadd.s32 $0xFFFF8000;
	(pc) =	sbr.rel @p0 .LBB2_1-.Ltmp0, $4  }
0x56: {  	[hbm4b:s6+s2] =	stream.linear.scatter [tilespmem:s9], [sflag:$0x2], $0x8000, $0x38;
	[tilespmem:$0x8080] =	vst v63  }
0x57: {  	_ =	swait.ge [sflag:s8], $0x8000  }
0x58: {  	[sflag:s8] =	ssyncset.done $0x0  }
0x59: {  	s7 =	sadd.s32 $0xFFFFFFFF, s7;
	[sflag:s8] =	ssyncadd.s32 $0xFFFF8000  }
0x5a: {  	_ =	sfence.sel $0x180000  }
0x5b: {  	[bflag:$0x0] =	sbarrier.arrive $0xFFFF  }
0x5c: {  	p0 =	sne.s32 s3, $0x0;
	_ =	strace $0x9000004A  }
0x5d: {  	s0 =	sadd.s32 @!p0 $0x100000, s0;
	[bflag:$0x2] =	sbarrier.arrive $0xFFFF  }
0x5e: {  	[sflag:s0] =	ssyncadd.tile.s32 @!p0 $0x1;
	_ =	shalt  }
.Lfunc_end2:
_tile_overlayer_lowered:
.L_overlay_start_2:
0x5f: {  	(tag) =	ssettag $0x2  }
0x60: {  	s0 =	rddreg [dreg:$0x0];
	s2 =	stileid.u32  }
0x61: {  	s1 =	rddreg [dreg:$0x1];
	p0 =	sne.s32 s2, $0x0  }
0x62: {  	s3 =	rddreg [dreg:$0x2];
	[bflag:$0x3] =	sbarrier.arrive $0xFFFF;
	s2 =	simm.s32 @!p0 $0x1C02  }
0x63: {  	[timem:s3], [sflag:s2] =	dma.local @!p0 [hbm:s0], s1  }
0x64: {  	s0 =	simm.s32 @!p0 $0x2  }
0x65: {  	_ =	swait.ge @!p0 [sflag:s0], s1  }
0x66: {  	s1 =	ssub.s32 @!p0 $0x0, s1;
	[sflag:s0] =	ssyncset.done @!p0 $0x0  }
0x67: {  	[sflag:s0] =	ssyncadd.s32 @!p0 s1  }
0x68: {  	[bflag:$0x3] =	sbarrier.arrive $0xFFFF  }
0x69: {  	_ =	shalt  }

// kernel: kernel.16.cloned.1.call-start
scs
__scs_entry_jumppad:
0x0: {  	(pc) =	sbr.rel $0x88, $3  }
0x1: {  	(tag) =	ssettag $0x0;
	lr =	simm.s32 $0x1  }
0x2: {  	[smem:$0x3F9B] =	sst lr;
	_ =	strace $0xD0000000  }
0x3: {  	_ = 	snop  }
0x4: {  	_ = 	snop  }
0x5: {  	_ = 	snop  }
0x6: {  	_ = 	snop  }
0x7: {  	_ = 	snop  }
__scs_overlays_trampoline_lowered:
0x8: {  	[smem:$0x3FAA] =	sst s0  }
0x9: {  	[smem:$0x3FAB] =	sst s1  }
0xa: {  	[smem:$0x3FAC] =	sst s2  }
0xb: {  	[smem:$0x3FAD] =	sst s3  }
0xc: {  	[smem:$0x3FAE] =	sst s4  }
0xd: {  	[smem:$0x3FAF] =	sst s5  }
0xe: {  	[smem:$0x3FB0] =	sst s6  }
0xf: {  	[smem:$0x3FB1] =	sst s7  }
0x10: {  	[smem:$0x3FB2] =	sst s8  }
0x11: {  	[smem:$0x3FB3] =	sst s9;
	s0 =	simm.s32 @!p0 $0x0  }
0x12: {  	s1 =	sld [smem:$0x3F99];
	s0 =	simm.s32 @p0 $0x1  }
0x13: {  	[smem:$0x3FB4] =	sst s0;
	s0 =	simm.s32 @!p1 $0x0  }
0x14: {  	s2 =	sld [smem:$0x3F98];
	s0 =	simm.s32 @p1 $0x1  }
0x15: {  	[smem:$0x3FB5] =	sst s0;
	s0 =	simm.s32 @!p2 $0x0  }
0x16: {  	s3 =	sld [smem:$0x3FDB];
	s0 =	simm.s32 @p2 $0x1  }
0x17: {  	s4 =	simm.s32 $0x1BF5;
	[smem:$0x3FB7] =	sst s0  }
0x18: {  	s0 =	sld [smem:$0x3F9A];
	_ =	swait.ge [sflag:s4], $0x0  }
0x19: {  	s7 =	sld [smem:$0x3F9B]  }
0x1a: {  	s8 =	sadd.s32 $0xFFFFE003, lr  }
0x1b: {  	s9 =	sadd.s32 $0xFFFFFEF7, lr;
	s5 =	simm.s32 $0xFFFFFFFF;
	p2 =	slt.u32 s8, $0xFFFFF086  }
0x1c: {  	p1 =	slt.u32 s9, $0xF7A;
	s5 =	simm.s32 @!p2 $0x0  }
0x1d: {  	s5 =	simm.s32 @p1 $0x1;
	p0 =	seq.s32 s7, s2  }
0x1e: {  	s7 =	smul.u32 @!p0 $0xF7A, s2;
	p2 =	seq.s32 @!p0 s5, $0x0  }
0x1f: {  	s9 =	smul.u32 $0xF7A, s1;
	s8 =	simm.s32 @!p0 $0x1BF5;
	p2 =	por !p2, p0  }
0x20: {  	[sflag:s8] =	ssyncset.s32 @!p0 $0xFFFFF086;
	s6 =	sadd.s32 @!p0 s3, s7;
	s7 =	simm.s32 @!p0 $0x108  }
0x21: {  	s3 =	sadd.s32 s3, s9;
	s6 =	sadd.s32 @!p0 $0x88, s6;
	s7 =	simm.s32 @p2 $0x1082  }
0x22: {  	[simem:s7], [sflag:s8] =	dma.local @!p0 [hbm:s6], $0xF7A  }
0x23: {  	s9 =	sor.u32 $0xD0000000, s2;
	s6 =	simm.s32 $0x108;
	_ =	swait.ge @!p0 [sflag:s8], $0x0  }
0x24: {  	s3 =	sadd.s32 $0x88, s3;
	s6 =	simm.s32 @!p1 $0x1082;
	[sflag:s4] =	ssyncset.s32 $0xFFFFF086  }
0x25: {  	[simem:s6], [sflag:s4] =	dma.local [hbm:s3], $0xF7A  }
0x26: {  	[smem:$0x3F9B] =	sst s1;
	(tag) =	ssettag s2;
	_ =	strace s9  }
0x27: {  	s1 =	sld [smem:$0x3FAB]  }
0x28: {  	s2 =	sld [smem:$0x3FAC]  }
0x29: {  	s4 =	sld [smem:$0x3FAE]  }
0x2a: {  	p0 =	seq.s32 s5, $0x0;
	s5 =	sld [smem:$0x3FAF]  }
0x2b: {  	s6 =	sld [smem:$0x3FB0]  }
0x2c: {  	s7 =	sld [smem:$0x3FB1]  }
0x2d: {  	s3 =	simm.s32 $0x108;
	s8 =	sld [smem:$0x3FB2]  }
0x2e: {  	s3 =	simm.s32 @!p0 $0x1082;
	s9 =	sld [smem:$0x3FB3]  }
0x2f: {  	lr =	sadd.s32 s0, s3;
	s0 =	sld [smem:$0x3FAA]  }
0x30: {  	s3 =	sld [smem:$0x3FAD]  }
0x31: {  	[smem:$0x3FB6] =	sst s10  }
0x32: {  	s10 =	sld [smem:$0x3FB4];
	_ =	sdelay $0x3  }
0x33: {  	p0 =	seq.s32 s10, $0x1;
	s10 =	sld [smem:$0x3FB6];
	_ =	sdelay $0x3  }
0x34: {  	[smem:$0x3FB6] =	sst s10  }
0x35: {  	s10 =	sld [smem:$0x3FB5];
	_ =	sdelay $0x3  }
0x36: {  	p1 =	seq.s32 s10, $0x1;
	s10 =	sld [smem:$0x3FB6];
	_ =	sdelay $0x3  }
0x37: {  	[smem:$0x3FB6] =	sst s10  }
0x38: {  	s10 =	sld [smem:$0x3FB7]  }
0x39: {  	_ = 	snop;
	(pc) =	sbr.ind lr, $3  }
0x3a: {  	_ = 	snop  }
0x3b: {  	_ = 	snop  }
0x3c: {  	p2 =	seq.s32 s10, $0x1;
	s10 =	sld [smem:$0x3FB6]  }
0x3d: {  	_ =	shalt  }
0x3e: {  	_ =	shalt  }
0x3f: {  	_ =	shalt  }
0x40: {  	_ =	shalt  }
0x41: {  	_ =	shalt  }
0x42: {  	_ =	shalt  }
0x43: {  	_ =	shalt  }
0x44: {  	_ =	shalt  }
0x45: {  	_ =	shalt  }
0x46: {  	_ =	shalt  }
0x47: {  	_ =	shalt  }
0x48: {  	_ =	shalt  }
0x49: {  	_ =	shalt  }
0x4a: {  	_ =	shalt  }
0x4b: {  	_ =	shalt  }
0x4c: {  	_ =	shalt  }
0x4d: {  	_ =	shalt  }
0x4e: {  	_ =	shalt  }
0x4f: {  	_ =	shalt  }
0x50: {  	_ =	shalt  }
0x51: {  	_ =	shalt  }
0x52: {  	_ =	shalt  }
0x53: {  	_ =	shalt  }
0x54: {  	_ =	shalt  }
0x55: {  	_ =	shalt  }
0x56: {  	_ =	shalt  }
0x57: {  	_ =	shalt  }
0x58: {  	_ =	shalt  }
0x59: {  	_ =	shalt  }
0x5a: {  	_ =	shalt  }
0x5b: {  	_ =	shalt  }
0x5c: {  	_ =	shalt  }
0x5d: {  	_ =	shalt  }
0x5e: {  	_ =	shalt  }
0x5f: {  	_ =	shalt  }
0x60: {  	_ =	shalt  }
0x61: {  	_ =	shalt  }
0x62: {  	_ =	shalt  }
0x63: {  	_ =	shalt  }
0x64: {  	_ =	shalt  }
0x65: {  	_ =	shalt  }
0x66: {  	_ =	shalt  }
0x67: {  	_ =	shalt  }
0x68: {  	_ =	shalt  }
0x69: {  	_ =	shalt  }
0x6a: {  	_ =	shalt  }
0x6b: {  	_ =	shalt  }
0x6c: {  	_ =	shalt  }
0x6d: {  	_ =	shalt  }
0x6e: {  	_ =	shalt  }
0x6f: {  	_ =	shalt  }
0x70: {  	_ =	shalt  }
0x71: {  	_ =	shalt  }
0x72: {  	_ =	shalt  }
0x73: {  	_ =	shalt  }
0x74: {  	_ =	shalt  }
0x75: {  	_ =	shalt  }
0x76: {  	_ =	shalt  }
0x77: {  	_ =	shalt  }
0x78: {  	_ =	shalt  }
0x79: {  	_ =	shalt  }
0x7a: {  	_ =	shalt  }
0x7b: {  	_ =	shalt  }
0x7c: {  	_ =	shalt  }
0x7d: {  	_ =	shalt  }
0x7e: {  	_ =	shalt  }
0x7f: {  	_ =	shalt  }
0x80: {  	_ =	shalt  }
0x81: {  	_ =	shalt  }
0x82: {  	_ =	shalt  }
0x83: {  	_ =	shalt  }
0x84: {  	_ =	shalt  }
0x85: {  	_ =	shalt  }
0x86: {  	_ =	shalt  }
0x87: {  	_ =	shalt  }
.Lfunc_end0:
.L_simem_size_0:
called_computation.2_lowered:
.L_overlay_start_0:
0x88: {  	s2 =	sld [smem:$0x3FD9]  }
0x89: {  	s3 =	sld [smem:$0x3FFE];
	_ =	sdelay $0x1  }
0x8a: {  	s1 =	srdreg.scid  }
0x8b: {  	s0 =	sand.u32 $0x1, s1  }
0x8c: {  	s17 =	sshll.u32 s0, $0xA;
	s2 =	sadd.s32 s3, s2  }
0x8d: {  	s2 =	sadd.s32 s2, s17  }
0x8e: {  	[smem:$0x3FC2] =	sst s2  }
0x8f: {  	_ = 	snop  }
0x90: {  	s18 =	sld [smem:$0x3FC9]  }
0x91: {  	s4 =	sld [smem:$0x3FC8];
	(tm) =	ssettm $0x1  }
0x92: {  	s19 =	sld [smem:$0x3FFB];
	_ =	sdelay $0x3  }
0x93: {  	_ =	strace s19  }
0x94: {  	s2 =	sld [smem:$0x3FFC];
	_ =	sdelay $0x3  }
0x95: {  	_ =	strace s2  }
0x96: {  	s2 =	sld [smem:$0x3FFD];
	_ =	sdelay $0x3  }
0x97: {  	_ =	strace s2  }
0x98: {  	_ =	strace $0x8FFFFFFF  }
0x99: {  	s20 =	sld [smem:$0x3FDB];
	_ =	sdelay $0x1  }
0x9a: {  	s5 =	simm.s32 $_scs_section_size  }
0x9b: {  	s6 =	simm.s32 $_size__tile_overlayer_lowered;
	s7 =	simm.s32 $_tile_overlayer_lowered  }
0x9c: {  	s8 =	simm.s32 $0x1BFF;
	s21 =	sshll.u32 s7, $0x1;
	s5 =	sadd.s32 s5, s20  }
0x9d: {  	s22 =	simm.s32 $0x0;
	s6 =	sshll.u32 s6, $0x1;
	s7 =	sadd.s32 s21, s5  }
0x9e: {  	[timem:s22], [sflag:s8] =	dma.local [hbm:s7], s6  }
0x9f: {  	_ =	swait.ge [sflag:s8], s6  }
0xa0: {  	s6 =	ssub.s32 $0x0, s6;
	[sflag:s8] =	ssyncset.done $0x0  }
0xa1: {  	[sflag:s8] =	ssyncadd.s32 s6;
	_ =	sdelay $0x1  }
0xa2: {  	s23 =	simm.s32 $0x1B8B  }
0xa3: {  	_ =	swait.ge [sflag:s23], $0x1  }
0xa4: {  	[sflag:s23] =	ssyncset.done $0x0  }
0xa5: {  	[sflag:s23] =	ssyncadd.s32 $0xFFFFFFFF  }
0xa6: {  	s6 =	sld [smem:$0x0]  }
0xa7: {  	s7 =	sand.u32 $0xFFFFFFFE, s1  }
0xa8: {  	p0 =	sne.s32 s1, s7  }
0xa9: {  	s7 =	sshll.u32 @p0 s7, $0xE  }
0xaa: {  	s7 =	sadd.s32 @p0 $0x11B8D, s7;
	s8 =	sshll.u32 @p0 s6, $0x11  }
0xab: {  	s7 =	sor.u32 @p0 s8, s7  }
0xac: {  	[sflag:s7] =	ssyncadd.remote.s32 @p0 $0x1;
	_ =	sdelay $0x1  }
0xad: {  	s7 =	simm.s32 @p0 $0x1B8D  }
0xae: {  	_ =	swait.eq @p0 [sflag:s7], $0x1  }
0xaf: {  	[sflag:s7] =	ssyncadd.s32 @p0 $0xFFFFFFFF  }
0xb0: {  	s8 =	sshll.u32 @!p0 s1, $0xE  }
0xb1: {  	s8 =	sor.u32 @!p0 $0x4000, s8;
	s7 =	simm.s32 @!p0 $0x1B8D  }
0xb2: {  	s6 =	sshll.u32 @!p0 s6, $0x11;
	s8 =	sadd.s32 @!p0 $0x11B8D, s8;
	_ =	swait.eq @!p0 [sflag:s7], $0x1  }
0xb3: {  	s6 =	sor.u32 @!p0 s6, s8;
	[sflag:s7] =	ssyncadd.s32 @!p0 $0xFFFFFFFF  }
0xb4: {  	s25 =	simm.s32 $0x1B8E;
	s24 =	sld [smem:$0x3FFE];
	[sflag:s6] =	ssyncadd.remote.s32 @!p0 $0x1  }
0xb5: {  	s26 =	simm.s32 $execute0_lowered;
	[smem:$0x3FD2] =	sst s25  }
0xb6: {  	s7 =	sshll.u32 s26, $0x1;
	_ =	strace $0x8000004C;
	[dreg:$0x1] =	wrdreg $0xFFFFFFFF  }
0xb7: {  	s28 =	simm.s32 $_size_execute0_lowered;
	s5 =	sadd.s32 s5, s7;
	[dreg:$0x0] =	wrdreg $0x0  }
0xb8: {  	s7 =	sshll.u32 s28, $0x1;
	[dreg:$0x2] =	wrdreg s5  }
0xb9: {  	[dreg:$0x3] =	wrdreg s7  }
0xba: {  	[dreg:$0x4] =	wrdreg $0xC0  }
0xbb: {  	_ =	task [dreg:s22], $0x5FFFF  }
0xbc: {  	[dreg:$0x1] =	wrdreg $0xFFFFFFFF  }
0xbd: {  	[dreg:$0x0] =	wrdreg $0x60  }
0xbe: {  	[dreg:$0x2] =	wrdreg s18  }
0xbf: {  	[dreg:$0x3] =	wrdreg s4  }
0xc0: {  	[dreg:$0x4] =	wrdreg s24  }
0xc1: {  	[dreg:$0x5] =	wrdreg $0xB  }
0xc2: {  	_ =	task.clear_ibuf [dreg:s22], $0x6FFFF;
	_ =	strace $0x9000004C  }
0xc3: {  	s29 =	simm.s32 $0xB;
	_ =	strace $0x8000004E  }
0xc4: {  	_ =	swait.ge [sflag:s29], $0x1  }
0xc5: {  	[sflag:s29] =	ssyncadd.s32 $0xFFFFFFFF  }
0xc6: {  	_ =	strace $0x9000004E  }
0xc7: {  	_ =	sfence  }
0xc8: {  	s30 =	sld [smem:$0x0];
	_ =	sdelay $0x2  }
0xc9: {  	s31 =	sshll.u32 s1, $0xD;
	s1 =	sshrl.u32 s1, $0x2  }
0xca: {  	s4 =	sand.u32 $0x4000, s31;
	s1 =	sadd.s32 s1, s30  }
0xcb: {  	s0 =	sor.u32 s4, s0;
	s1 =	sshll.u32 s1, $0x11  }
0xcc: {  	s0 =	sor.u32 s1, s0  }
0xcd: {  	s0 =	sadd.s32 $0x8F2B, s0  }
0xce: {  	[sflag:s0] =	ssyncadd.remote.s32 $0x1  }
0xcf: {  	_ =	sfence.sel $0xFFFF  }
0xd0: {  	[dreg:$0x0] =	wrdreg $0xFFFFFFFF;
	(pc) =	sbr.abs _section_cstart, $3  }
0xd1: {  	[dreg:$0x1] =	wrdreg $0xFFFFFFFF  }
0xd2: {  	_ =	task.clear_ibuf [dreg:s22], $0x2FFFF;
	_ =	strace $0x9FFFFFFF  }
0xd3: {  	(tm) =	ssettm $0x7FFFFFFF  }
tec
execute0_lowered:
.L_overlay_start_1:
0x0: {  	(tag) =	ssettag $0x1  }
0x1: {  	s4 =	rddreg [dreg:$0x0]  }
0x2: {  	s1 =	rddreg [dreg:$0x1]  }
0x3: {  	s5 =	rddreg [dreg:$0x2]  }
0x4: {  	s0 =	rddreg [dreg:$0x3]  }
0x5: {  	s2 =	simm.s32 $0x0;
	s3 =	srdreg.scid;
	s10 =	simm.s32 $0x880  }
0x6: {  	s11 =	simm.s32 $0x1080;
	s12 =	simm.s32 $0x1880;
	s13 =	simm.s32 $0x2080  }
0x7: {  	s14 =	simm.s32 $0x2880;
	s15 =	simm.s32 $0x3080;
	s16 =	simm.s32 $0x3880  }
0x8: {  	s17 =	simm.s32 $0x4080;
	s18 =	simm.s32 $0x4880;
	s19 =	simm.s32 $0x5080  }
0x9: {  	s20 =	simm.s32 $0x5880;
	s21 =	simm.s32 $0x6080;
	s22 =	simm.s32 $0x6880  }
0xa: {  	s23 =	simm.s32 $0x7080;
	s24 =	simm.s32 $0x7880;
	s25 =	simm.s32 $0x1  }
0xb: {  	[smem:$0x7FF] =	sst s2;
	s6 =	sand.u32 $0x1, s3;
	s3 =	stileid.u32  }
0xc: {  	_ =	strace $0x8000004D;
	s7 =	sshll.u32 s6, $0xC;
	s8 =	sshll.u32 s3, $0x6  }
0xd: {  	s9 =	sshll.u32 s3, $0x2;
	s28 =	sshll.u32 s6, $0x3;
	s6 =	ssub.s32 $0x2, s6  }
0xe: {  	s30 =	sshll.u32 s3, $0xD;
	s5 =	sadd.s32 s7, s5;
	s26 =	sor.u32 s9, s8  }
0xf: {  	s4 =	sadd.s32 s28, s4;
	s29 =	sshrl.u32 s6, $0x1;
	s9 =	simm.s32 $0x80  }
0x10: {  	v2 =	vlaneseq.u32;
	s7 =	sand.u32 $0xF0, s26;
	s8 =	ssub.s32 s6, s29;
	s31 =	sadd.s32 s30, s5  }
0x11: {  	vm0 =	vmmov $0xffff;
	v1 =	vshrl.u32 v2, $0x3;
	s5 =	sadd.s32 $0x100, s1;
	s4 =	sadd.s32 s7, s4;
	s6 =	sadd.s32 $0x22000, s31  }
0x12: {  	v0 =	vand.u32 $0x7, v2;
	v2 =	vor.u32 $0x8, v2;
	v1 =	vmul.u32 $0x8, v1;
	s7 =	smax.u32 s8, $0x1;
	s8 =	simm.s32 $0x2;
	s4 =	sadd.s32 $0x200, s4  }
.LBB2_1:
0x13: {  	[tilespmem:s2], [sflag:$0x2] =	stream.linear.gather [hbm4b:s4+s2], $0x40, $0x38;
	[tilespmem:$0x8080] =	vst v63  }
0x14: {  	_ =	swait.ge [sflag:s8], $0x40  }
0x15: {  	[sflag:s8] =	ssyncset.done $0x0  }
0x16: {  	[sflag:s8] =	ssyncadd.s32 $0xFFFFFFC0  }
0x17: {  	v3 =	vld [tilespmem:$0x0];
	_ =	sdelay $0x4  }
0x18: {  	v4 =	vshll.u32 v3, $0x2  }
0x19: {  	v3 =	vand.u32 $0x7, v3;
	v4 =	vand.u32 $0xFFFFFFE0, v4  }
0x1a: {  	v3 =	vor.u32 v3, v4  }
0x1b: {  	v4 =	vperm.xlane v3, v0;
	_ =	sdelay $0x1  }
0x1c: {  	v4 =	vadd.s32 v1, v4;
	_ =	sdelay $0x1  }
0x1d: {  	v3 =	vperm.xlane v3, v2;
	_ =	sdelay $0x1  }
0x1e: {  	v3 =	vadd.s32 v1, v3  }
0x1f: {  	[tilespmem:s9], [sflag:$0x1] =	stream.indirect_vreg.gather [hbm4b:s1+s2], $0x80, v4, vm0, $0xb8;
	[tilespmem:$0x8080] =	vst v63  }
0x20: {  	_ = 	snop  }
0x21: {  	[tilespmem:s10], [sflag:$0x1] =	stream.indirect_vreg.gather [hbm4b:s5+s2], $0x80, v4, vm0, $0xb8;
	[tilespmem:$0x8080] =	vst v63  }
0x22: {  	_ = 	snop  }
0x23: {  	[tilespmem:s11], [sflag:$0x1] =	stream.indirect_vreg.gather [hbm4b:s1+s2], $0x80, v3, vm0, $0xb8;
	[tilespmem:$0x8080] =	vst v63  }
0x24: {  	_ = 	snop  }
0x25: {  	[tilespmem:s12], [sflag:$0x1] =	stream.indirect_vreg.gather [hbm4b:s5+s2], $0x80, v3, vm0, $0xb8;
	[tilespmem:$0x8080] =	vst v63  }
0x26: {  	v3 =	vld [tilespmem:$0x10];
	_ =	sdelay $0x4  }
0x27: {  	v61 =	vshll.u32 v3, $0x2  }
0x28: {  	v3 =	vand.u32 $0x7, v3;
	v4 =	vand.u32 $0xFFFFFFE0, v61  }
0x29: {  	v3 =	vor.u32 v3, v4  }
0x2a: {  	v4 =	vperm.xlane v3, v0;
	_ =	sdelay $0x1  }
0x2b: {  	v4 =	vadd.s32 v1, v4;
	_ =	sdelay $0x1  }
0x2c: {  	v3 =	vperm.xlane v3, v2;
	_ =	sdelay $0x1  }
0x2d: {  	v3 =	vadd.s32 v1, v3  }
0x2e: {  	[tilespmem:s13], [sflag:$0x1] =	stream.indirect_vreg.gather [hbm4b:s1+s2], $0x80, v4, vm0, $0xb8;
	[tilespmem:$0x8080] =	vst v63  }
0x2f: {  	_ = 	snop  }
0x30: {  	[tilespmem:s14], [sflag:$0x1] =	stream.indirect_vreg.gather [hbm4b:s5+s2], $0x80, v4, vm0, $0xb8;
	[tilespmem:$0x8080] =	vst v63  }
0x31: {  	_ = 	snop  }
0x32: {  	[tilespmem:s15], [sflag:$0x1] =	stream.indirect_vreg.gather [hbm4b:s1+s2], $0x80, v3, vm0, $0xb8;
	[tilespmem:$0x8080] =	vst v63  }
0x33: {  	_ = 	snop  }
0x34: {  	[tilespmem:s16], [sflag:$0x1] =	stream.indirect_vreg.gather [hbm4b:s5+s2], $0x80, v3, vm0, $0xb8;
	[tilespmem:$0x8080] =	vst v63  }
0x35: {  	v3 =	vld [tilespmem:$0x20];
	_ =	sdelay $0x4  }
0x36: {  	v62 =	vshll.u32 v3, $0x2  }
0x37: {  	v3 =	vand.u32 $0x7, v3;
	v4 =	vand.u32 $0xFFFFFFE0, v62  }
0x38: {  	v3 =	vor.u32 v3, v4  }
0x39: {  	v4 =	vperm.xlane v3, v0;
	_ =	sdelay $0x1  }
0x3a: {  	v4 =	vadd.s32 v1, v4;
	_ =	sdelay $0x1  }
0x3b: {  	v3 =	vperm.xlane v3, v2;
	_ =	sdelay $0x1  }
0x3c: {  	v3 =	vadd.s32 v1, v3  }
0x3d: {  	[tilespmem:s17], [sflag:$0x1] =	stream.indirect_vreg.gather [hbm4b:s1+s2], $0x80, v4, vm0, $0xb8;
	[tilespmem:$0x8080] =	vst v63  }
0x3e: {  	_ = 	snop  }
0x3f: {  	[tilespmem:s18], [sflag:$0x1] =	stream.indirect_vreg.gather [hbm4b:s5+s2], $0x80, v4, vm0, $0xb8;
	[tilespmem:$0x8080] =	vst v63  }
0x40: {  	_ = 	snop  }
0x41: {  	[tilespmem:s19], [sflag:$0x1] =	stream.indirect_vreg.gather [hbm4b:s1+s2], $0x80, v3, vm0, $0xb8;
	[tilespmem:$0x8080] =	vst v63  }
0x42: {  	_ = 	snop  }
0x43: {  	[tilespmem:s20], [sflag:$0x1] =	stream.indirect_vreg.gather [hbm4b:s5+s2], $0x80, v3, vm0, $0xb8;
	[tilespmem:$0x8080] =	vst v63  }
0x44: {  	v3 =	vld [tilespmem:$0x30];
	_ =	sdelay $0x4  }
0x45: {  	v63 =	vshll.u32 v3, $0x2  }
0x46: {  	v3 =	vand.u32 $0x7, v3;
	v4 =	vand.u32 $0xFFFFFFE0, v63  }
0x47: {  	v3 =	vor.u32 v3, v4  }
0x48: {  	v4 =	vperm.xlane v3, v0;
	_ =	sdelay $0x1  }
0x49: {  	v4 =	vadd.s32 v1, v4;
	_ =	sdelay $0x1  }
0x4a: {  	v3 =	vperm.xlane v3, v2;
	_ =	sdelay $0x1  }
0x4b: {  	v3 =	vadd.s32 v1, v3  }
0x4c: {  	[tilespmem:s21], [sflag:$0x1] =	stream.indirect_vreg.gather [hbm4b:s1+s2], $0x80, v4, vm0, $0xb8;
	[tilespmem:$0x8080] =	vst v63  }
0x4d: {  	_ = 	snop  }
0x4e: {  	[tilespmem:s22], [sflag:$0x1] =	stream.indirect_vreg.gather [hbm4b:s5+s2], $0x80, v4, vm0, $0xb8;
	[tilespmem:$0x8080] =	vst v63  }
0x4f: {  	_ = 	snop  }
0x50: {  	[tilespmem:s23], [sflag:$0x1] =	stream.indirect_vreg.gather [hbm4b:s1+s2], $0x80, v3, vm0, $0xb8;
	[tilespmem:$0x8080] =	vst v63  }
0x51: {  	_ = 	snop  }
0x52: {  	[tilespmem:s24], [sflag:$0x1] =	stream.indirect_vreg.gather [hbm4b:s5+s2], $0x80, v3, vm0, $0xb8;
	[tilespmem:$0x8080] =	vst v63  }
0x53: {  	_ =	swait.ge [sflag:s25], $0x8000  }
0x54: {  	p0 =	sne.s32 s7, $0x1;
	[sflag:s25] =	ssyncset.done $0x0  }
.Ltmp0:
0x55: {  	[sflag:s25] =	ssyncadd.s32 $0xFFFF8000;
	(pc) =	sbr.rel @p0 .LBB2_1-.Ltmp0, $4  }
0x56: {  	[hbm4b:s6+s2] =	stream.linear.scatter [tilespmem:s9], [sflag:$0x2], $0x8000, $0x38;
	[tilespmem:$0x8080] =	vst v63  }
0x57: {  	_ =	swait.ge [sflag:s8], $0x8000  }
0x58: {  	[sflag:s8] =	ssyncset.done $0x0  }
0x59: {  	s7 =	sadd.s32 $0xFFFFFFFF, s7;
	[sflag:s8] =	ssyncadd.s32 $0xFFFF8000  }
0x5a: {  	_ =	sfence.sel $0x180000  }
0x5b: {  	[bflag:$0x0] =	sbarrier.arrive $0xFFFF  }
0x5c: {  	p0 =	sne.s32 s3, $0x0;
	_ =	strace $0x9000004D  }
0x5d: {  	s0 =	sadd.s32 @!p0 $0x100000, s0;
	[bflag:$0x2] =	sbarrier.arrive $0xFFFF  }
0x5e: {  	[sflag:s0] =	ssyncadd.tile.s32 @!p0 $0x1;
	_ =	shalt  }
.Lfunc_end2:
_tile_overlayer_lowered:
.L_overlay_start_2:
0x5f: {  	(tag) =	ssettag $0x2  }
0x60: {  	s0 =	rddreg [dreg:$0x0];
	s2 =	stileid.u32  }
0x61: {  	s1 =	rddreg [dreg:$0x1];
	p0 =	sne.s32 s2, $0x0  }
0x62: {  	s3 =	rddreg [dreg:$0x2];
	[bflag:$0x3] =	sbarrier.arrive $0xFFFF;
	s2 =	simm.s32 @!p0 $0x1C02  }
0x63: {  	[timem:s3], [sflag:s2] =	dma.local @!p0 [hbm:s0], s1  }
0x64: {  	s0 =	simm.s32 @!p0 $0x2  }
0x65: {  	_ =	swait.ge @!p0 [sflag:s0], s1  }
0x66: {  	s1 =	ssub.s32 @!p0 $0x0, s1;
	[sflag:s0] =	ssyncset.done @!p0 $0x0  }
0x67: {  	[sflag:s0] =	ssyncadd.s32 @!p0 s1  }
0x68: {  	[bflag:$0x3] =	sbarrier.arrive $0xFFFF  }
0x69: {  	_ =	shalt  }

// kernel: kernel.19.cloned.1.call-start
scs
__scs_entry_jumppad:
0x0: {  	(pc) =	sbr.rel $0x88, $3  }
0x1: {  	(tag) =	ssettag $0x0;
	lr =	simm.s32 $0x1  }
0x2: {  	[smem:$0x3F9B] =	sst lr;
	_ =	strace $0xD0000000  }
0x3: {  	_ = 	snop  }
0x4: {  	_ = 	snop  }
0x5: {  	_ = 	snop  }
0x6: {  	_ = 	snop  }
0x7: {  	_ = 	snop  }
__scs_overlays_trampoline_lowered:
0x8: {  	[smem:$0x3FAA] =	sst s0  }
0x9: {  	[smem:$0x3FAB] =	sst s1  }
0xa: {  	[smem:$0x3FAC] =	sst s2  }
0xb: {  	[smem:$0x3FAD] =	sst s3  }
0xc: {  	[smem:$0x3FAE] =	sst s4  }
0xd: {  	[smem:$0x3FAF] =	sst s5  }
0xe: {  	[smem:$0x3FB0] =	sst s6  }
0xf: {  	[smem:$0x3FB1] =	sst s7  }
0x10: {  	[smem:$0x3FB2] =	sst s8  }
0x11: {  	[smem:$0x3FB3] =	sst s9;
	s0 =	simm.s32 @!p0 $0x0  }
0x12: {  	s1 =	sld [smem:$0x3F99];
	s0 =	simm.s32 @p0 $0x1  }
0x13: {  	[smem:$0x3FB4] =	sst s0;
	s0 =	simm.s32 @!p1 $0x0  }
0x14: {  	s2 =	sld [smem:$0x3F98];
	s0 =	simm.s32 @p1 $0x1  }
0x15: {  	[smem:$0x3FB5] =	sst s0;
	s0 =	simm.s32 @!p2 $0x0  }
0x16: {  	s3 =	sld [smem:$0x3FDB];
	s0 =	simm.s32 @p2 $0x1  }
0x17: {  	s4 =	simm.s32 $0x1BF5;
	[smem:$0x3FB7] =	sst s0  }
0x18: {  	s0 =	sld [smem:$0x3F9A];
	_ =	swait.ge [sflag:s4], $0x0  }
0x19: {  	s7 =	sld [smem:$0x3F9B]  }
0x1a: {  	s8 =	sadd.s32 $0xFFFFE003, lr  }
0x1b: {  	s9 =	sadd.s32 $0xFFFFFEF7, lr;
	s5 =	simm.s32 $0xFFFFFFFF;
	p2 =	slt.u32 s8, $0xFFFFF086  }
0x1c: {  	p1 =	slt.u32 s9, $0xF7A;
	s5 =	simm.s32 @!p2 $0x0  }
0x1d: {  	s5 =	simm.s32 @p1 $0x1;
	p0 =	seq.s32 s7, s2  }
0x1e: {  	s7 =	smul.u32 @!p0 $0xF7A, s2;
	p2 =	seq.s32 @!p0 s5, $0x0  }
0x1f: {  	s9 =	smul.u32 $0xF7A, s1;
	s8 =	simm.s32 @!p0 $0x1BF5;
	p2 =	por !p2, p0  }
0x20: {  	[sflag:s8] =	ssyncset.s32 @!p0 $0xFFFFF086;
	s6 =	sadd.s32 @!p0 s3, s7;
	s7 =	simm.s32 @!p0 $0x108  }
0x21: {  	s3 =	sadd.s32 s3, s9;
	s6 =	sadd.s32 @!p0 $0x88, s6;
	s7 =	simm.s32 @p2 $0x1082  }
0x22: {  	[simem:s7], [sflag:s8] =	dma.local @!p0 [hbm:s6], $0xF7A  }
0x23: {  	s9 =	sor.u32 $0xD0000000, s2;
	s6 =	simm.s32 $0x108;
	_ =	swait.ge @!p0 [sflag:s8], $0x0  }
0x24: {  	s3 =	sadd.s32 $0x88, s3;
	s6 =	simm.s32 @!p1 $0x1082;
	[sflag:s4] =	ssyncset.s32 $0xFFFFF086  }
0x25: {  	[simem:s6], [sflag:s4] =	dma.local [hbm:s3], $0xF7A  }
0x26: {  	[smem:$0x3F9B] =	sst s1;
	(tag) =	ssettag s2;
	_ =	strace s9  }
0x27: {  	s1 =	sld [smem:$0x3FAB]  }
0x28: {  	s2 =	sld [smem:$0x3FAC]  }
0x29: {  	s4 =	sld [smem:$0x3FAE]  }
0x2a: {  	p0 =	seq.s32 s5, $0x0;
	s5 =	sld [smem:$0x3FAF]  }
0x2b: {  	s6 =	sld [smem:$0x3FB0]  }
0x2c: {  	s7 =	sld [smem:$0x3FB1]  }
0x2d: {  	s3 =	simm.s32 $0x108;
	s8 =	sld [smem:$0x3FB2]  }
0x2e: {  	s3 =	simm.s32 @!p0 $0x1082;
	s9 =	sld [smem:$0x3FB3]  }
0x2f: {  	lr =	sadd.s32 s0, s3;
	s0 =	sld [smem:$0x3FAA]  }
0x30: {  	s3 =	sld [smem:$0x3FAD]  }
0x31: {  	[smem:$0x3FB6] =	sst s10  }
0x32: {  	s10 =	sld [smem:$0x3FB4];
	_ =	sdelay $0x3  }
0x33: {  	p0 =	seq.s32 s10, $0x1;
	s10 =	sld [smem:$0x3FB6];
	_ =	sdelay $0x3  }
0x34: {  	[smem:$0x3FB6] =	sst s10  }
0x35: {  	s10 =	sld [smem:$0x3FB5];
	_ =	sdelay $0x3  }
0x36: {  	p1 =	seq.s32 s10, $0x1;
	s10 =	sld [smem:$0x3FB6];
	_ =	sdelay $0x3  }
0x37: {  	[smem:$0x3FB6] =	sst s10  }
0x38: {  	s10 =	sld [smem:$0x3FB7]  }
0x39: {  	_ = 	snop;
	(pc) =	sbr.ind lr, $3  }
0x3a: {  	_ = 	snop  }
0x3b: {  	_ = 	snop  }
0x3c: {  	p2 =	seq.s32 s10, $0x1;
	s10 =	sld [smem:$0x3FB6]  }
0x3d: {  	_ =	shalt  }
0x3e: {  	_ =	shalt  }
0x3f: {  	_ =	shalt  }
0x40: {  	_ =	shalt  }
0x41: {  	_ =	shalt  }
0x42: {  	_ =	shalt  }
0x43: {  	_ =	shalt  }
0x44: {  	_ =	shalt  }
0x45: {  	_ =	shalt  }
0x46: {  	_ =	shalt  }
0x47: {  	_ =	shalt  }
0x48: {  	_ =	shalt  }
0x49: {  	_ =	shalt  }
0x4a: {  	_ =	shalt  }
0x4b: {  	_ =	shalt  }
0x4c: {  	_ =	shalt  }
0x4d: {  	_ =	shalt  }
0x4e: {  	_ =	shalt  }
0x4f: {  	_ =	shalt  }
0x50: {  	_ =	shalt  }
0x51: {  	_ =	shalt  }
0x52: {  	_ =	shalt  }
0x53: {  	_ =	shalt  }
0x54: {  	_ =	shalt  }
0x55: {  	_ =	shalt  }
0x56: {  	_ =	shalt  }
0x57: {  	_ =	shalt  }
0x58: {  	_ =	shalt  }
0x59: {  	_ =	shalt  }
0x5a: {  	_ =	shalt  }
0x5b: {  	_ =	shalt  }
0x5c: {  	_ =	shalt  }
0x5d: {  	_ =	shalt  }
0x5e: {  	_ =	shalt  }
0x5f: {  	_ =	shalt  }
0x60: {  	_ =	shalt  }
0x61: {  	_ =	shalt  }
0x62: {  	_ =	shalt  }
0x63: {  	_ =	shalt  }
0x64: {  	_ =	shalt  }
0x65: {  	_ =	shalt  }
0x66: {  	_ =	shalt  }
0x67: {  	_ =	shalt  }
0x68: {  	_ =	shalt  }
0x69: {  	_ =	shalt  }
0x6a: {  	_ =	shalt  }
0x6b: {  	_ =	shalt  }
0x6c: {  	_ =	shalt  }
0x6d: {  	_ =	shalt  }
0x6e: {  	_ =	shalt  }
0x6f: {  	_ =	shalt  }
0x70: {  	_ =	shalt  }
0x71: {  	_ =	shalt  }
0x72: {  	_ =	shalt  }
0x73: {  	_ =	shalt  }
0x74: {  	_ =	shalt  }
0x75: {  	_ =	shalt  }
0x76: {  	_ =	shalt  }
0x77: {  	_ =	shalt  }
0x78: {  	_ =	shalt  }
0x79: {  	_ =	shalt  }
0x7a: {  	_ =	shalt  }
0x7b: {  	_ =	shalt  }
0x7c: {  	_ =	shalt  }
0x7d: {  	_ =	shalt  }
0x7e: {  	_ =	shalt  }
0x7f: {  	_ =	shalt  }
0x80: {  	_ =	shalt  }
0x81: {  	_ =	shalt  }
0x82: {  	_ =	shalt  }
0x83: {  	_ =	shalt  }
0x84: {  	_ =	shalt  }
0x85: {  	_ =	shalt  }
0x86: {  	_ =	shalt  }
0x87: {  	_ =	shalt  }
.Lfunc_end0:
.L_simem_size_0:
called_computation.3_lowered:
.L_overlay_start_0:
0x88: {  	s2 =	sld [smem:$0x3FD9]  }
0x89: {  	s3 =	sld [smem:$0x3FFE];
	_ =	sdelay $0x1  }
0x8a: {  	s1 =	srdreg.scid  }
0x8b: {  	s0 =	sand.u32 $0x1, s1  }
0x8c: {  	s17 =	sshll.u32 s0, $0xA;
	s2 =	sadd.s32 s3, s2  }
0x8d: {  	s2 =	sadd.s32 s2, s17  }
0x8e: {  	[smem:$0x3FC2] =	sst s2  }
0x8f: {  	_ = 	snop  }
0x90: {  	s18 =	sld [smem:$0x3FC9]  }
0x91: {  	s4 =	sld [smem:$0x3FC8];
	(tm) =	ssettm $0x1  }
0x92: {  	s19 =	sld [smem:$0x3FFB];
	_ =	sdelay $0x3  }
0x93: {  	_ =	strace s19  }
0x94: {  	s2 =	sld [smem:$0x3FFC];
	_ =	sdelay $0x3  }
0x95: {  	_ =	strace s2  }
0x96: {  	s2 =	sld [smem:$0x3FFD];
	_ =	sdelay $0x3  }
0x97: {  	_ =	strace s2  }
0x98: {  	_ =	strace $0x8FFFFFFF  }
0x99: {  	s20 =	sld [smem:$0x3FDB];
	_ =	sdelay $0x1  }
0x9a: {  	s5 =	simm.s32 $_scs_section_size  }
0x9b: {  	s6 =	simm.s32 $_size__tile_overlayer_lowered;
	s7 =	simm.s32 $_tile_overlayer_lowered  }
0x9c: {  	s8 =	simm.s32 $0x1BFF;
	s21 =	sshll.u32 s7, $0x1;
	s5 =	sadd.s32 s5, s20  }
0x9d: {  	s22 =	simm.s32 $0x0;
	s6 =	sshll.u32 s6, $0x1;
	s7 =	sadd.s32 s21, s5  }
0x9e: {  	[timem:s22], [sflag:s8] =	dma.local [hbm:s7], s6  }
0x9f: {  	_ =	swait.ge [sflag:s8], s6  }
0xa0: {  	s6 =	ssub.s32 $0x0, s6;
	[sflag:s8] =	ssyncset.done $0x0  }
0xa1: {  	[sflag:s8] =	ssyncadd.s32 s6;
	_ =	sdelay $0x1  }
0xa2: {  	s23 =	simm.s32 $0x1B8B  }
0xa3: {  	_ =	swait.ge [sflag:s23], $0x1  }
0xa4: {  	[sflag:s23] =	ssyncset.done $0x0  }
0xa5: {  	[sflag:s23] =	ssyncadd.s32 $0xFFFFFFFF  }
0xa6: {  	s6 =	sld [smem:$0x0]  }
0xa7: {  	s7 =	sand.u32 $0xFFFFFFFE, s1  }
0xa8: {  	p0 =	sne.s32 s1, s7  }
0xa9: {  	s7 =	sshll.u32 @p0 s7, $0xE  }
0xaa: {  	s7 =	sadd.s32 @p0 $0x11B8D, s7;
	s8 =	sshll.u32 @p0 s6, $0x11  }
0xab: {  	s7 =	sor.u32 @p0 s8, s7  }
0xac: {  	[sflag:s7] =	ssyncadd.remote.s32 @p0 $0x1;
	_ =	sdelay $0x1  }
0xad: {  	s7 =	simm.s32 @p0 $0x1B8D  }
0xae: {  	_ =	swait.eq @p0 [sflag:s7], $0x1  }
0xaf: {  	[sflag:s7] =	ssyncadd.s32 @p0 $0xFFFFFFFF  }
0xb0: {  	s8 =	sshll.u32 @!p0 s1, $0xE  }
0xb1: {  	s8 =	sor.u32 @!p0 $0x4000, s8;
	s7 =	simm.s32 @!p0 $0x1B8D  }
0xb2: {  	s6 =	sshll.u32 @!p0 s6, $0x11;
	s8 =	sadd.s32 @!p0 $0x11B8D, s8;
	_ =	swait.eq @!p0 [sflag:s7], $0x1  }
0xb3: {  	s6 =	sor.u32 @!p0 s6, s8;
	[sflag:s7] =	ssyncadd.s32 @!p0 $0xFFFFFFFF  }
0xb4: {  	s25 =	simm.s32 $0x1B8E;
	s24 =	sld [smem:$0x3FFE];
	[sflag:s6] =	ssyncadd.remote.s32 @!p0 $0x1  }
0xb5: {  	s26 =	simm.s32 $execute0_lowered;
	[smem:$0x3FD2] =	sst s25  }
0xb6: {  	s7 =	sshll.u32 s26, $0x1;
	_ =	strace $0x8000004F;
	[dreg:$0x1] =	wrdreg $0xFFFFFFFF  }
0xb7: {  	s28 =	simm.s32 $_size_execute0_lowered;
	s5 =	sadd.s32 s5, s7;
	[dreg:$0x0] =	wrdreg $0x0  }
0xb8: {  	s7 =	sshll.u32 s28, $0x1;
	[dreg:$0x2] =	wrdreg s5  }
0xb9: {  	[dreg:$0x3] =	wrdreg s7  }
0xba: {  	[dreg:$0x4] =	wrdreg $0xC0  }
0xbb: {  	_ =	task [dreg:s22], $0x5FFFF  }
0xbc: {  	[dreg:$0x1] =	wrdreg $0xFFFFFFFF  }
0xbd: {  	[dreg:$0x0] =	wrdreg $0x60  }
0xbe: {  	[dreg:$0x2] =	wrdreg s18  }
0xbf: {  	[dreg:$0x3] =	wrdreg s4  }
0xc0: {  	[dreg:$0x4] =	wrdreg s24  }
0xc1: {  	[dreg:$0x5] =	wrdreg $0xC  }
0xc2: {  	_ =	task.clear_ibuf [dreg:s22], $0x6FFFF;
	_ =	strace $0x9000004F  }
0xc3: {  	s29 =	simm.s32 $0xC;
	_ =	strace $0x80000051  }
0xc4: {  	_ =	swait.ge [sflag:s29], $0x1  }
0xc5: {  	[sflag:s29] =	ssyncadd.s32 $0xFFFFFFFF  }
0xc6: {  	_ =	strace $0x90000051  }
0xc7: {  	_ =	sfence  }
0xc8: {  	s30 =	sld [smem:$0x0];
	_ =	sdelay $0x2  }
0xc9: {  	s31 =	sshll.u32 s1, $0xD;
	s1 =	sshrl.u32 s1, $0x2  }
0xca: {  	s4 =	sand.u32 $0x4000, s31;
	s1 =	sadd.s32 s1, s30  }
0xcb: {  	s0 =	sor.u32 s4, s0;
	s1 =	sshll.u32 s1, $0x11  }
0xcc: {  	s0 =	sor.u32 s1, s0  }
0xcd: {  	s0 =	sadd.s32 $0x8F2B, s0  }
0xce: {  	[sflag:s0] =	ssyncadd.remote.s32 $0x1  }
0xcf: {  	_ =	sfence.sel $0xFFFF  }
0xd0: {  	[dreg:$0x0] =	wrdreg $0xFFFFFFFF;
	(pc) =	sbr.abs _section_cstart, $3  }
0xd1: {  	[dreg:$0x1] =	wrdreg $0xFFFFFFFF  }
0xd2: {  	_ =	task.clear_ibuf [dreg:s22], $0x2FFFF;
	_ =	strace $0x9FFFFFFF  }
0xd3: {  	(tm) =	ssettm $0x7FFFFFFF  }
tec
execute0_lowered:
.L_overlay_start_1:
0x0: {  	(tag) =	ssettag $0x1  }
0x1: {  	s4 =	rddreg [dreg:$0x0]  }
0x2: {  	s1 =	rddreg [dreg:$0x1]  }
0x3: {  	s5 =	rddreg [dreg:$0x2]  }
0x4: {  	s0 =	rddreg [dreg:$0x3]  }
0x5: {  	s3 =	simm.s32 $0x0;
	s2 =	stileid.u32;
	s6 =	srdreg.scid  }
0x6: {  	s10 =	simm.s32 $0x880;
	s11 =	simm.s32 $0x1080;
	s12 =	simm.s32 $0x1880  }
0x7: {  	s13 =	simm.s32 $0x2080;
	s14 =	simm.s32 $0x2880;
	s15 =	simm.s32 $0x3080  }
0x8: {  	s16 =	simm.s32 $0x3880;
	s17 =	simm.s32 $0x4080;
	s18 =	simm.s32 $0x4880  }
0x9: {  	s19 =	simm.s32 $0x5080;
	s20 =	simm.s32 $0x5880;
	s21 =	simm.s32 $0x6080  }
0xa: {  	s22 =	simm.s32 $0x6880;
	s23 =	simm.s32 $0x7080;
	s24 =	simm.s32 $0x7880  }
0xb: {  	s25 =	simm.s32 $0x1;
	[smem:$0x7FF] =	sst s3;
	s7 =	sshll.u32 s2, $0x2  }
0xc: {  	s6 =	sand.u32 $0x1, s6;
	s8 =	sshll.u32 s2, $0x6;
	s30 =	sshll.u32 s2, $0xD  }
0xd: {  	_ =	strace $0x80000050;
	s7 =	sand.u32 $0x30, s7;
	s9 =	sshll.u32 s6, $0xC  }
0xe: {  	s28 =	sshll.u32 s6, $0x3;
	s6 =	ssub.s32 $0x2, s6;
	s7 =	sor.u32 s8, s7  }
0xf: {  	s5 =	sadd.s32 s9, s5;
	s29 =	sshrl.u32 s6, $0x1;
	s9 =	simm.s32 $0x80  }
0x10: {  	v2 =	vlaneseq.u32;
	s7 =	sor.u32 s28, s7;
	s8 =	ssub.s32 s6, s29;
	s31 =	sadd.s32 s30, s5  }
0x11: {  	vm0 =	vmmov $0xffff;
	v1 =	vshrl.u32 v2, $0x3;
	s5 =	sadd.s32 $0x100, s1;
	s7 =	sor.u32 $0x300, s7;
	s6 =	sadd.s32 $0x42000, s31  }
0x12: {  	v0 =	vand.u32 $0x7, v2;
	v2 =	vor.u32 $0x8, v2;
	v1 =	vmul.u32 $0x8, v1;
	s4 =	sadd.s32 s4, s7;
	s7 =	smax.u32 s8, $0x1;
	s8 =	simm.s32 $0x2  }
.LBB2_1:
0x13: {  	[tilespmem:s3], [sflag:$0x2] =	stream.linear.gather [hbm4b:s4+s3], $0x40, $0x38;
	[tilespmem:$0x8080] =	vst v63  }
0x14: {  	_ =	swait.ge [sflag:s8], $0x40  }
0x15: {  	[sflag:s8] =	ssyncset.done $0x0  }
0x16: {  	[sflag:s8] =	ssyncadd.s32 $0xFFFFFFC0  }
0x17: {  	v3 =	vld [tilespmem:$0x0];
	_ =	sdelay $0x4  }
0x18: {  	v4 =	vshll.u32 v3, $0x2  }
0x19: {  	v3 =	vand.u32 $0x7, v3;
	v4 =	vand.u32 $0xFFFFFFE0, v4  }
0x1a: {  	v3 =	vor.u32 v3, v4  }
0x1b: {  	v4 =	vperm.xlane v3, v0;
	_ =	sdelay $0x1  }
0x1c: {  	v4 =	vadd.s32 v1, v4;
	_ =	sdelay $0x1  }
0x1d: {  	v3 =	vperm.xlane v3, v2;
	_ =	sdelay $0x1  }
0x1e: {  	v3 =	vadd.s32 v1, v3  }
0x1f: {  	[tilespmem:s9], [sflag:$0x1] =	stream.indirect_vreg.gather [hbm4b:s1+s3], $0x80, v4, vm0, $0xb8;
	[tilespmem:$0x8080] =	vst v63  }
0x20: {  	_ = 	snop  }
0x21: {  	[tilespmem:s10], [sflag:$0x1] =	stream.indirect_vreg.gather [hbm4b:s5+s3], $0x80, v4, vm0, $0xb8;
	[tilespmem:$0x8080] =	vst v63  }
0x22: {  	_ = 	snop  }
0x23: {  	[tilespmem:s11], [sflag:$0x1] =	stream.indirect_vreg.gather [hbm4b:s1+s3], $0x80, v3, vm0, $0xb8;
	[tilespmem:$0x8080] =	vst v63  }
0x24: {  	_ = 	snop  }
0x25: {  	[tilespmem:s12], [sflag:$0x1] =	stream.indirect_vreg.gather [hbm4b:s5+s3], $0x80, v3, vm0, $0xb8;
	[tilespmem:$0x8080] =	vst v63  }
0x26: {  	v3 =	vld [tilespmem:$0x10];
	_ =	sdelay $0x4  }
0x27: {  	v61 =	vshll.u32 v3, $0x2  }
0x28: {  	v3 =	vand.u32 $0x7, v3;
	v4 =	vand.u32 $0xFFFFFFE0, v61  }
0x29: {  	v3 =	vor.u32 v3, v4  }
0x2a: {  	v4 =	vperm.xlane v3, v0;
	_ =	sdelay $0x1  }
0x2b: {  	v4 =	vadd.s32 v1, v4;
	_ =	sdelay $0x1  }
0x2c: {  	v3 =	vperm.xlane v3, v2;
	_ =	sdelay $0x1  }
0x2d: {  	v3 =	vadd.s32 v1, v3  }
0x2e: {  	[tilespmem:s13], [sflag:$0x1] =	stream.indirect_vreg.gather [hbm4b:s1+s3], $0x80, v4, vm0, $0xb8;
	[tilespmem:$0x8080] =	vst v63  }
0x2f: {  	_ = 	snop  }
0x30: {  	[tilespmem:s14], [sflag:$0x1] =	stream.indirect_vreg.gather [hbm4b:s5+s3], $0x80, v4, vm0, $0xb8;
	[tilespmem:$0x8080] =	vst v63  }
0x31: {  	_ = 	snop  }
0x32: {  	[tilespmem:s15], [sflag:$0x1] =	stream.indirect_vreg.gather [hbm4b:s1+s3], $0x80, v3, vm0, $0xb8;
	[tilespmem:$0x8080] =	vst v63  }
0x33: {  	_ = 	snop  }
0x34: {  	[tilespmem:s16], [sflag:$0x1] =	stream.indirect_vreg.gather [hbm4b:s5+s3], $0x80, v3, vm0, $0xb8;
	[tilespmem:$0x8080] =	vst v63  }
0x35: {  	v3 =	vld [tilespmem:$0x20];
	_ =	sdelay $0x4  }
0x36: {  	v62 =	vshll.u32 v3, $0x2  }
0x37: {  	v3 =	vand.u32 $0x7, v3;
	v4 =	vand.u32 $0xFFFFFFE0, v62  }
0x38: {  	v3 =	vor.u32 v3, v4  }
0x39: {  	v4 =	vperm.xlane v3, v0;
	_ =	sdelay $0x1  }
0x3a: {  	v4 =	vadd.s32 v1, v4;
	_ =	sdelay $0x1  }
0x3b: {  	v3 =	vperm.xlane v3, v2;
	_ =	sdelay $0x1  }
0x3c: {  	v3 =	vadd.s32 v1, v3  }
0x3d: {  	[tilespmem:s17], [sflag:$0x1] =	stream.indirect_vreg.gather [hbm4b:s1+s3], $0x80, v4, vm0, $0xb8;
	[tilespmem:$0x8080] =	vst v63  }
0x3e: {  	_ = 	snop  }
0x3f: {  	[tilespmem:s18], [sflag:$0x1] =	stream.indirect_vreg.gather [hbm4b:s5+s3], $0x80, v4, vm0, $0xb8;
	[tilespmem:$0x8080] =	vst v63  }
0x40: {  	_ = 	snop  }
0x41: {  	[tilespmem:s19], [sflag:$0x1] =	stream.indirect_vreg.gather [hbm4b:s1+s3], $0x80, v3, vm0, $0xb8;
	[tilespmem:$0x8080] =	vst v63  }
0x42: {  	_ = 	snop  }
0x43: {  	[tilespmem:s20], [sflag:$0x1] =	stream.indirect_vreg.gather [hbm4b:s5+s3], $0x80, v3, vm0, $0xb8;
	[tilespmem:$0x8080] =	vst v63  }
0x44: {  	v3 =	vld [tilespmem:$0x30];
	_ =	sdelay $0x4  }
0x45: {  	v63 =	vshll.u32 v3, $0x2  }
0x46: {  	v3 =	vand.u32 $0x7, v3;
	v4 =	vand.u32 $0xFFFFFFE0, v63  }
0x47: {  	v3 =	vor.u32 v3, v4  }
0x48: {  	v4 =	vperm.xlane v3, v0;
	_ =	sdelay $0x1  }
0x49: {  	v4 =	vadd.s32 v1, v4;
	_ =	sdelay $0x1  }
0x4a: {  	v3 =	vperm.xlane v3, v2;
	_ =	sdelay $0x1  }
0x4b: {  	v3 =	vadd.s32 v1, v3  }
0x4c: {  	[tilespmem:s21], [sflag:$0x1] =	stream.indirect_vreg.gather [hbm4b:s1+s3], $0x80, v4, vm0, $0xb8;
	[tilespmem:$0x8080] =	vst v63  }
0x4d: {  	_ = 	snop  }
0x4e: {  	[tilespmem:s22], [sflag:$0x1] =	stream.indirect_vreg.gather [hbm4b:s5+s3], $0x80, v4, vm0, $0xb8;
	[tilespmem:$0x8080] =	vst v63  }
0x4f: {  	_ = 	snop  }
0x50: {  	[tilespmem:s23], [sflag:$0x1] =	stream.indirect_vreg.gather [hbm4b:s1+s3], $0x80, v3, vm0, $0xb8;
	[tilespmem:$0x8080] =	vst v63  }
0x51: {  	_ = 	snop  }
0x52: {  	[tilespmem:s24], [sflag:$0x1] =	stream.indirect_vreg.gather [hbm4b:s5+s3], $0x80, v3, vm0, $0xb8;
	[tilespmem:$0x8080] =	vst v63  }
0x53: {  	_ =	swait.ge [sflag:s25], $0x8000  }
0x54: {  	p0 =	sne.s32 s7, $0x1;
	[sflag:s25] =	ssyncset.done $0x0  }
.Ltmp0:
0x55: {  	[sflag:s25] =	ssyncadd.s32 $0xFFFF8000;
	(pc) =	sbr.rel @p0 .LBB2_1-.Ltmp0, $4  }
0x56: {  	[hbm4b:s6+s3] =	stream.linear.scatter [tilespmem:s9], [sflag:$0x2], $0x8000, $0x38;
	[tilespmem:$0x8080] =	vst v63  }
0x57: {  	_ =	swait.ge [sflag:s8], $0x8000  }
0x58: {  	[sflag:s8] =	ssyncset.done $0x0  }
0x59: {  	s7 =	sadd.s32 $0xFFFFFFFF, s7;
	[sflag:s8] =	ssyncadd.s32 $0xFFFF8000  }
0x5a: {  	_ =	sfence.sel $0x180000  }
0x5b: {  	[bflag:$0x0] =	sbarrier.arrive $0xFFFF  }
0x5c: {  	p0 =	sne.s32 s2, $0x0;
	_ =	strace $0x90000050  }
0x5d: {  	s0 =	sadd.s32 @!p0 $0x100000, s0;
	[bflag:$0x2] =	sbarrier.arrive $0xFFFF  }
0x5e: {  	[sflag:s0] =	ssyncadd.tile.s32 @!p0 $0x1;
	_ =	shalt  }
.Lfunc_end2:
_tile_overlayer_lowered:
.L_overlay_start_2:
0x5f: {  	(tag) =	ssettag $0x2  }
0x60: {  	s0 =	rddreg [dreg:$0x0];
	s2 =	stileid.u32  }
0x61: {  	s1 =	rddreg [dreg:$0x1];
	p0 =	sne.s32 s2, $0x0  }
0x62: {  	s3 =	rddreg [dreg:$0x2];
	[bflag:$0x3] =	sbarrier.arrive $0xFFFF;
	s2 =	simm.s32 @!p0 $0x1C02  }
0x63: {  	[timem:s3], [sflag:s2] =	dma.local @!p0 [hbm:s0], s1  }
0x64: {  	s0 =	simm.s32 @!p0 $0x2  }
0x65: {  	_ =	swait.ge @!p0 [sflag:s0], s1  }
0x66: {  	s1 =	ssub.s32 @!p0 $0x0, s1;
	[sflag:s0] =	ssyncset.done @!p0 $0x0  }
0x67: {  	[sflag:s0] =	ssyncadd.s32 @!p0 s1  }
0x68: {  	[bflag:$0x3] =	sbarrier.arrive $0xFFFF  }
0x69: {  	_ =	shalt  }

</sc_bundles>
